<compile_context>
chip_gen: v7x
topology: tpu7x:2x2x1
jax: 0.10.2.dev20260603
libtpu: 0.0.44.dev20260713+nightly
codegen_flags: <defaults>
</compile_context>

<pallas_src>
import jax
import jax.numpy as jnp
from jax import lax
from jax.experimental import pallas as pl
from jax.experimental.pallas import tpu as pltpu
from jax.experimental.pallas import tpu_sc as plsc

NC = 2
NS = 16
L = 16
NW = NC * NS

B = 16384
PER_W = B // NW
CHUNK = 256
N_CHUNKS = PER_W // CHUNK

_P5 = (0.029808765243552946, -0.12995719765850117, 0.2838231830655296,
       -0.48969909032090775, 0.9991664010110769, 1.1447097560674194e-05)


def _bandit_loss_body(score_hbm, idx_hbm, rew_hbm, out_hbm,
                      idx_v, vals_v, rew_v, out_v,
                      sem_i, sem_g0, sem_g1, sem_r, sem_o):
    wid = lax.axis_index("s") * NC + lax.axis_index("c")
    base = wid * PER_W
    sem_g = [sem_g0, sem_g1]

    cp_i = pltpu.async_copy(idx_hbm.at[pl.ds(base, PER_W)], idx_v, sem_i)
    cp_r = pltpu.async_copy(rew_hbm.at[pl.ds(base, PER_W)], rew_v, sem_r)
    cp_i.wait()
    cp_g = [
        pltpu.async_copy(
            score_hbm.at[idx_v.at[pl.ds(c * CHUNK, CHUNK)]],
            vals_v.at[pl.ds(c * CHUNK, CHUNK)],
            sem_g[c],
        )
        for c in range(N_CHUNKS)
    ]
    cp_r.wait()

    k = [jnp.float32(v) for v in _P5]
    cp_o = []
    for c in range(N_CHUNKS):
        cp_g[c].wait()
        for i in range(CHUNK // L):
            s = pl.ds(c * CHUNK + i * L, L)
            x = vals_v[s]
            r = rew_v[s]
            u = jnp.exp(-jnp.abs(x))
            p = ((((k[0] * u + k[1]) * u + k[2]) * u + k[3]) * u + k[4]) * u + k[5]
            m = jnp.minimum(x, jnp.float32(0.0))
            out_v[s] = (p - m) * r
        cp_o.append(pltpu.async_copy(
            out_v.at[pl.ds(c * CHUNK, CHUNK)],
            out_hbm.at[pl.ds(base + c * CHUNK, CHUNK)],
            sem_o,
        ))
    for cp in cp_o:
        cp.wait()


@jax.jit
def _bandit_loss(score, idx, rewards):
    mesh = plsc.VectorSubcoreMesh(core_axis_name="c", subcore_axis_name="s")
    return pl.kernel(
        _bandit_loss_body,
        out_type=jax.ShapeDtypeStruct((B,), jnp.float32),
        mesh=mesh,
        scratch_types=[
            pltpu.VMEM((PER_W,), jnp.int32),
            pltpu.VMEM((PER_W,), jnp.float32),
            pltpu.VMEM((PER_W,), jnp.float32),
            pltpu.VMEM((PER_W,), jnp.float32),
        ] + [pltpu.SemaphoreType.DMA] * 5,
    )(score, idx, rewards)


def kernel(score, chosen_action, rewards):
    idx = chosen_action.astype(jnp.int32)
    return _bandit_loss(score, idx, rewards)

# --- scband reference (transcript-rebuilt; emitter-appended) ---
"""Pipeline reference for scband-bandit-loss-17016660427299 (READ-ONLY COPY).

The authoritative reference and input builder live on the scoring server;
editing this copy changes nothing except your own understanding.
"""

import jax, jax.numpy as jnp
import numpy as np


def setup_inputs(seed: int = 0) -> dict:
    key = jax.random.key(seed)
    k1, k2, k3 = jax.random.split(key, 3)
    score = jax.random.normal(k1, (1000000,), dtype=jnp.float32)
    chosen_action = jax.random.randint(k2, (16384,), 0, 1000000, dtype=jnp.int64)
    rewards = jax.random.uniform(k3, (16384,), dtype=jnp.float32)
    return {"score": score, "chosen_action": chosen_action, "rewards": rewards}


def reference(score, chosen_action, rewards):
    # score[chosen_action] -> gather; logsigmoid applied to gathered scores
    gathered = jnp.take(score, chosen_action, axis=0)
    return -(jax.nn.log_sigmoid(gathered) * rewards)

if __name__ == "__main__":
    import jax
    _d = setup_inputs()
    print(jax.jit(kernel)(*tuple(_d.values())))

</pallas_src>

<mosaic_0001>
#map = affine_map<(d0, d1) -> (0)>
module attributes {stable_mosaic.version = 14 : i64} {
  func.func @_bandit_loss_body(%arg0: i32, %arg1: i32, %arg2: memref<1000000xf32, #tpu.memory_space<hbm>>, %arg3: memref<16384xi32, #tpu.memory_space<hbm>>, %arg4: memref<16384xf32, #tpu.memory_space<hbm>>, %arg5: memref<16384xf32, #tpu.memory_space<hbm>>, %arg6: memref<512xi32, #tpu.memory_space<vmem>>, %arg7: memref<512xf32, #tpu.memory_space<vmem>>, %arg8: memref<512xf32, #tpu.memory_space<vmem>>, %arg9: memref<512xf32, #tpu.memory_space<vmem>>, %arg10: memref<!tpu.dma_semaphore, #tpu.memory_space<semaphore_mem>>, %arg11: memref<!tpu.dma_semaphore, #tpu.memory_space<semaphore_mem>>, %arg12: memref<!tpu.dma_semaphore, #tpu.memory_space<semaphore_mem>>, %arg13: memref<!tpu.dma_semaphore, #tpu.memory_space<semaphore_mem>>, %arg14: memref<!tpu.dma_semaphore, #tpu.memory_space<semaphore_mem>>) attributes {dimension_semantics = [#tpu.dimension_semantics<core_parallel>, #tpu.dimension_semantics<subcore_parallel>], iteration_bounds = array<i64: 2, 16>, scalar_prefetch = 0 : i64, scratch_operands = 9 : i64, tpu.core_type = #tpu.core_type<sc_vector_subcore>, window_params = [{transform_indices = #map}, {transform_indices = #map}, {transform_indices = #map}, {transform_indices = #map}]} {
    %mul3A = arith.constant 2 : i32
    %mul3A_0 = arith.muli %arg1, %mul3A : i32
    %add3A = arith.addi %mul3A_0, %arg0 : i32
    %mul3A_1 = arith.constant 512 : i32
    %mul3A_2 = arith.muli %add3A, %mul3A_1 : i32
    %dma_start3A = tpu.memref_slice %arg3[%mul3A_2] : memref<16384xi32, #tpu.memory_space<hbm>> -> memref<512xi32, #tpu.memory_space<hbm>>
    %dma_start3A_3 = tpu.memref_slice %arg3[%mul3A_2] : memref<16384xi32, #tpu.memory_space<hbm>> -> memref<512xi32, #tpu.memory_space<hbm>>
    tpu.enqueue_dma source(%dma_start3A_3 : memref<512xi32, #tpu.memory_space<hbm>>) target(%arg6 : memref<512xi32, #tpu.memory_space<vmem>>) target_semaphore(%arg10 : memref<!tpu.dma_semaphore, #tpu.memory_space<semaphore_mem>>)
    %dma_start3A_4 = tpu.memref_slice %arg4[%mul3A_2] : memref<16384xf32, #tpu.memory_space<hbm>> -> memref<512xf32, #tpu.memory_space<hbm>>
    %dma_start3A_5 = tpu.memref_slice %arg4[%mul3A_2] : memref<16384xf32, #tpu.memory_space<hbm>> -> memref<512xf32, #tpu.memory_space<hbm>>
    tpu.enqueue_dma source(%dma_start3A_5 : memref<512xf32, #tpu.memory_space<hbm>>) target(%arg8 : memref<512xf32, #tpu.memory_space<vmem>>) target_semaphore(%arg13 : memref<!tpu.dma_semaphore, #tpu.memory_space<semaphore_mem>>)
    %dma_wait3A = tpu.memref_slice %arg3[%mul3A_2] : memref<16384xi32, #tpu.memory_space<hbm>> -> memref<512xi32, #tpu.memory_space<hbm>>
    %dma_wait3A_6 = tpu.memref_slice %arg3[%mul3A_2] : memref<16384xi32, #tpu.memory_space<hbm>> -> memref<512xi32, #tpu.memory_space<hbm>>
    tpu.wait_dma2 semaphore(%arg10 : memref<!tpu.dma_semaphore, #tpu.memory_space<semaphore_mem>>) src(%dma_wait3A_6 : memref<512xi32, #tpu.memory_space<hbm>>) dst(%arg6 : memref<512xi32, #tpu.memory_space<vmem>>)
    %dma_start3A_7 = arith.constant 0 : i32
    %dma_start3A_8 = tpu.memref_slice %arg7[%dma_start3A_7] : memref<512xf32, #tpu.memory_space<vmem>> -> memref<256xf32, #tpu.memory_space<vmem>>
    %dma_start3A_9 = arith.constant 0 : i32
    %dma_start3A_10 = tpu.memref_slice %arg6[%dma_start3A_9] : memref<512xi32, #tpu.memory_space<vmem>> -> memref<256xi32, #tpu.memory_space<vmem>>
    %dma_start3A_11 = arith.constant 0 : i32
    %dma_start3A_12 = tpu.memref_slice %arg2[%dma_start3A_11] : memref<1000000xf32, #tpu.memory_space<hbm>> -> memref<1000000xf32, #tpu.memory_space<hbm>>
    tpu.enqueue_indirect_dma source(%dma_start3A_12 : memref<1000000xf32, #tpu.memory_space<hbm>>) target(%dma_start3A_8 : memref<256xf32, #tpu.memory_space<vmem>>) offsets(%dma_start3A_10 : memref<256xi32, #tpu.memory_space<vmem>>) semaphore(%arg11 : memref<!tpu.dma_semaphore, #tpu.memory_space<semaphore_mem>>)
    %dma_start3A_13 = arith.constant 256 : i32
    %dma_start3A_14 = tpu.memref_slice %arg7[%dma_start3A_13] : memref<512xf32, #tpu.memory_space<vmem>> -> memref<256xf32, #tpu.memory_space<vmem>>
    %dma_start3A_15 = arith.constant 256 : i32
    %dma_start3A_16 = tpu.memref_slice %arg6[%dma_start3A_15] : memref<512xi32, #tpu.memory_space<vmem>> -> memref<256xi32, #tpu.memory_space<vmem>>
    %dma_start3A_17 = arith.constant 0 : i32
    %dma_start3A_18 = tpu.memref_slice %arg2[%dma_start3A_17] : memref<1000000xf32, #tpu.memory_space<hbm>> -> memref<1000000xf32, #tpu.memory_space<hbm>>
    tpu.enqueue_indirect_dma source(%dma_start3A_18 : memref<1000000xf32, #tpu.memory_space<hbm>>) target(%dma_start3A_14 : memref<256xf32, #tpu.memory_space<vmem>>) offsets(%dma_start3A_16 : memref<256xi32, #tpu.memory_space<vmem>>) semaphore(%arg12 : memref<!tpu.dma_semaphore, #tpu.memory_space<semaphore_mem>>)
    %dma_wait3A_19 = tpu.memref_slice %arg4[%mul3A_2] : memref<16384xf32, #tpu.memory_space<hbm>> -> memref<512xf32, #tpu.memory_space<hbm>>
    %dma_wait3A_20 = tpu.memref_slice %arg4[%mul3A_2] : memref<16384xf32, #tpu.memory_space<hbm>> -> memref<512xf32, #tpu.memory_space<hbm>>
    tpu.wait_dma2 semaphore(%arg13 : memref<!tpu.dma_semaphore, #tpu.memory_space<semaphore_mem>>) src(%dma_wait3A_20 : memref<512xf32, #tpu.memory_space<hbm>>) dst(%arg8 : memref<512xf32, #tpu.memory_space<vmem>>)
    %dma_wait3A_21 = arith.constant 0 : i32
    %dma_wait3A_22 = tpu.memref_slice %arg7[%dma_wait3A_21] : memref<512xf32, #tpu.memory_space<vmem>> -> memref<256xf32, #tpu.memory_space<vmem>>
    %dma_wait3A_23 = arith.constant 0 : i32
    %dma_wait3A_24 = tpu.memref_slice %arg6[%dma_wait3A_23] : memref<512xi32, #tpu.memory_space<vmem>> -> memref<256xi32, #tpu.memory_space<vmem>>
    %dma_wait3A_25 = arith.constant 0 : i32
    %dma_wait3A_26 = tpu.memref_slice %arg2[%dma_wait3A_25] : memref<1000000xf32, #tpu.memory_space<hbm>> -> memref<1000000xf32, #tpu.memory_space<hbm>>
    tpu.wait_indirect_dma semaphore(%arg11 : memref<!tpu.dma_semaphore, #tpu.memory_space<semaphore_mem>>) src(%dma_wait3A_26 : memref<1000000xf32, #tpu.memory_space<hbm>>) dst(%dma_wait3A_22 : memref<256xf32, #tpu.memory_space<vmem>>)
    %get3A = arith.constant 0 : index
    %get3A_27 = tpu.vector_load %arg7[%get3A] {strides = array<i32>} : memref<512xf32, #tpu.memory_space<vmem>>, vector<16xf32>,
    %get3A_28 = vector.shape_cast %get3A_27 : vector<16xf32> to vector<16xf32>
    %get3A_29 = arith.constant 0 : index
    %get3A_30 = tpu.vector_load %arg8[%get3A_29] {strides = array<i32>} : memref<512xf32, #tpu.memory_space<vmem>>, vector<16xf32>,
    %get3A_31 = vector.shape_cast %get3A_30 : vector<16xf32> to vector<16xf32>
    %abs3A = math.absf %get3A_28 : vector<16xf32>
    %neg3A = arith.constant 0.000000e+00 : f32
    %neg3A_32 = vector.broadcast %neg3A : f32 to vector<16xf32>
    %neg3A_33 = arith.subf %neg3A_32, %abs3A : vector<16xf32>
    %exp3A = math.exp %neg3A_33 : vector<16xf32>
    %mul3A_34 = arith.constant 0.0298087653 : f32
    %mul3A_35 = vector.broadcast %mul3A_34 : f32 to vector<16xf32>
    %mul3A_36 = arith.mulf %mul3A_35, %exp3A : vector<16xf32>
    %add3A_37 = arith.constant -0.129957199 : f32
    %add3A_38 = vector.broadcast %add3A_37 : f32 to vector<16xf32>
    %add3A_39 = arith.addf %mul3A_36, %add3A_38 : vector<16xf32>
    %mul3A_40 = arith.mulf %add3A_39, %exp3A : vector<16xf32>
    %add3A_41 = arith.constant 0.283823192 : f32
    %add3A_42 = vector.broadcast %add3A_41 : f32 to vector<16xf32>
    %add3A_43 = arith.addf %mul3A_40, %add3A_42 : vector<16xf32>
    %mul3A_44 = arith.mulf %add3A_43, %exp3A : vector<16xf32>
    %add3A_45 = arith.constant -0.489699095 : f32
    %add3A_46 = vector.broadcast %add3A_45 : f32 to vector<16xf32>
    %add3A_47 = arith.addf %mul3A_44, %add3A_46 : vector<16xf32>
    %mul3A_48 = arith.mulf %add3A_47, %exp3A : vector<16xf32>
    %add3A_49 = arith.constant 0.999166429 : f32
    %add3A_50 = vector.broadcast %add3A_49 : f32 to vector<16xf32>
    %add3A_51 = arith.addf %mul3A_48, %add3A_50 : vector<16xf32>
    %mul3A_52 = arith.mulf %add3A_51, %exp3A : vector<16xf32>
    %add3A_53 = arith.constant 1.14470977E-5 : f32
    %add3A_54 = vector.broadcast %add3A_53 : f32 to vector<16xf32>
    %add3A_55 = arith.addf %mul3A_52, %add3A_54 : vector<16xf32>
    %min3A = arith.constant 0.000000e+00 : f32
    %min3A_56 = vector.broadcast %min3A : f32 to vector<16xf32>
    %min3A_57 = arith.minimumf %get3A_28, %min3A_56 : vector<16xf32>
    %sub3A = arith.subf %add3A_55, %min3A_57 : vector<16xf32>
    %mul3A_58 = arith.mulf %sub3A, %get3A_31 : vector<16xf32>
    %swap3A = arith.constant 0 : index
    %swap3A_59 = tpu.vector_load %arg9[%swap3A] {strides = array<i32>} : memref<512xf32, #tpu.memory_space<vmem>>, vector<16xf32>,
    %swap3A_60 = vector.shape_cast %swap3A_59 : vector<16xf32> to vector<16xf32>
    %swap3A_61 = vector.shape_cast %mul3A_58 : vector<16xf32> to vector<16xf32>
    tpu.vector_store %arg9[%swap3A], %swap3A_61 {strides = array<i32>} : memref<512xf32, #tpu.memory_space<vmem>>, vector<16xf32>,
    %get3A_62 = arith.constant 16 : index
    %get3A_63 = tpu.vector_load %arg7[%get3A_62] {strides = array<i32>} : memref<512xf32, #tpu.memory_space<vmem>>, vector<16xf32>,
    %get3A_64 = vector.shape_cast %get3A_63 : vector<16xf32> to vector<16xf32>
    %get3A_65 = arith.constant 16 : index
    %get3A_66 = tpu.vector_load %arg8[%get3A_65] {strides = array<i32>} : memref<512xf32, #tpu.memory_space<vmem>>, vector<16xf32>,
    %get3A_67 = vector.shape_cast %get3A_66 : vector<16xf32> to vector<16xf32>
    %abs3A_68 = math.absf %get3A_64 : vector<16xf32>
    %neg3A_69 = arith.constant 0.000000e+00 : f32
    %neg3A_70 = vector.broadcast %neg3A_69 : f32 to vector<16xf32>
    %neg3A_71 = arith.subf %neg3A_70, %abs3A_68 : vector<16xf32>
    %exp3A_72 = math.exp %neg3A_71 : vector<16xf32>
    %mul3A_73 = arith.constant 0.0298087653 : f32
    %mul3A_74 = vector.broadcast %mul3A_73 : f32 to vector<16xf32>
    %mul3A_75 = arith.mulf %mul3A_74, %exp3A_72 : vector<16xf32>
    %add3A_76 = arith.constant -0.129957199 : f32
    %add3A_77 = vector.broadcast %add3A_76 : f32 to vector<16xf32>
    %add3A_78 = arith.addf %mul3A_75, %add3A_77 : vector<16xf32>
    %mul3A_79 = arith.mulf %add3A_78, %exp3A_72 : vector<16xf32>
    %add3A_80 = arith.constant 0.283823192 : f32
    %add3A_81 = vector.broadcast %add3A_80 : f32 to vector<16xf32>
    %add3A_82 = arith.addf %mul3A_79, %add3A_81 : vector<16xf32>
    %mul3A_83 = arith.mulf %add3A_82, %exp3A_72 : vector<16xf32>
    %add3A_84 = arith.constant -0.489699095 : f32
    %add3A_85 = vector.broadcast %add3A_84 : f32 to vector<16xf32>
    %add3A_86 = arith.addf %mul3A_83, %add3A_85 : vector<16xf32>
    %mul3A_87 = arith.mulf %add3A_86, %exp3A_72 : vector<16xf32>
    %add3A_88 = arith.constant 0.999166429 : f32
    %add3A_89 = vector.broadcast %add3A_88 : f32 to vector<16xf32>
    %add3A_90 = arith.addf %mul3A_87, %add3A_89 : vector<16xf32>
    %mul3A_91 = arith.mulf %add3A_90, %exp3A_72 : vector<16xf32>
    %add3A_92 = arith.constant 1.14470977E-5 : f32
    %add3A_93 = vector.broadcast %add3A_92 : f32 to vector<16xf32>
    %add3A_94 = arith.addf %mul3A_91, %add3A_93 : vector<16xf32>
    %min3A_95 = arith.constant 0.000000e+00 : f32
    %min3A_96 = vector.broadcast %min3A_95 : f32 to vector<16xf32>
    %min3A_97 = arith.minimumf %get3A_64, %min3A_96 : vector<16xf32>
    %sub3A_98 = arith.subf %add3A_94, %min3A_97 : vector<16xf32>
    %mul3A_99 = arith.mulf %sub3A_98, %get3A_67 : vector<16xf32>
    %swap3A_100 = arith.constant 16 : index
    %swap3A_101 = tpu.vector_load %arg9[%swap3A_100] {strides = array<i32>} : memref<512xf32, #tpu.memory_space<vmem>>, vector<16xf32>,
    %swap3A_102 = vector.shape_cast %swap3A_101 : vector<16xf32> to vector<16xf32>
    %swap3A_103 = vector.shape_cast %mul3A_99 : vector<16xf32> to vector<16xf32>
    tpu.vector_store %arg9[%swap3A_100], %swap3A_103 {strides = array<i32>} : memref<512xf32, #tpu.memory_space<vmem>>, vector<16xf32>,
    %get3A_104 = arith.constant 32 : index
    %get3A_105 = tpu.vector_load %arg7[%get3A_104] {strides = array<i32>} : memref<512xf32, #tpu.memory_space<vmem>>, vector<16xf32>,
    %get3A_106 = vector.shape_cast %get3A_105 : vector<16xf32> to vector<16xf32>
    %get3A_107 = arith.constant 32 : index
    %get3A_108 = tpu.vector_load %arg8[%get3A_107] {strides = array<i32>} : memref<512xf32, #tpu.memory_space<vmem>>, vector<16xf32>,
    %get3A_109 = vector.shape_cast %get3A_108 : vector<16xf32> to vector<16xf32>
    %abs3A_110 = math.absf %get3A_106 : vector<16xf32>
    %neg3A_111 = arith.constant 0.000000e+00 : f32
    %neg3A_112 = vector.broadcast %neg3A_111 : f32 to vector<16xf32>
    %neg3A_113 = arith.subf %neg3A_112, %abs3A_110 : vector<16xf32>
    %exp3A_114 = math.exp %neg3A_113 : vector<16xf32>
    %mul3A_115 = arith.constant 0.0298087653 : f32
    %mul3A_116 = vector.broadcast %mul3A_115 : f32 to vector<16xf32>
    %mul3A_117 = arith.mulf %mul3A_116, %exp3A_114 : vector<16xf32>
    %add3A_118 = arith.constant -0.129957199 : f32
    %add3A_119 = vector.broadcast %add3A_118 : f32 to vector<16xf32>
    %add3A_120 = arith.addf %mul3A_117, %add3A_119 : vector<16xf32>
    %mul3A_121 = arith.mulf %add3A_120, %exp3A_114 : vector<16xf32>
    %add3A_122 = arith.constant 0.283823192 : f32
    %add3A_123 = vector.broadcast %add3A_122 : f32 to vector<16xf32>
    %add3A_124 = arith.addf %mul3A_121, %add3A_123 : vector<16xf32>
    %mul3A_125 = arith.mulf %add3A_124, %exp3A_114 : vector<16xf32>
    %add3A_126 = arith.constant -0.489699095 : f32
    %add3A_127 = vector.broadcast %add3A_126 : f32 to vector<16xf32>
    %add3A_128 = arith.addf %mul3A_125, %add3A_127 : vector<16xf32>
    %mul3A_129 = arith.mulf %add3A_128, %exp3A_114 : vector<16xf32>
    %add3A_130 = arith.constant 0.999166429 : f32
    %add3A_131 = vector.broadcast %add3A_130 : f32 to vector<16xf32>
    %add3A_132 = arith.addf %mul3A_129, %add3A_131 : vector<16xf32>
    %mul3A_133 = arith.mulf %add3A_132, %exp3A_114 : vector<16xf32>
    %add3A_134 = arith.constant 1.14470977E-5 : f32
    %add3A_135 = vector.broadcast %add3A_134 : f32 to vector<16xf32>
    %add3A_136 = arith.addf %mul3A_133, %add3A_135 : vector<16xf32>
    %min3A_137 = arith.constant 0.000000e+00 : f32
    %min3A_138 = vector.broadcast %min3A_137 : f32 to vector<16xf32>
    %min3A_139 = arith.minimumf %get3A_106, %min3A_138 : vector<16xf32>
    %sub3A_140 = arith.subf %add3A_136, %min3A_139 : vector<16xf32>
    %mul3A_141 = arith.mulf %sub3A_140, %get3A_109 : vector<16xf32>
    %swap3A_142 = arith.constant 32 : index
    %swap3A_143 = tpu.vector_load %arg9[%swap3A_142] {strides = array<i32>} : memref<512xf32, #tpu.memory_space<vmem>>, vector<16xf32>,
    %swap3A_144 = vector.shape_cast %swap3A_143 : vector<16xf32> to vector<16xf32>
    %swap3A_145 = vector.shape_cast %mul3A_141 : vector<16xf32> to vector<16xf32>
    tpu.vector_store %arg9[%swap3A_142], %swap3A_145 {strides = array<i32>} : memref<512xf32, #tpu.memory_space<vmem>>, vector<16xf32>,
    %get3A_146 = arith.constant 48 : index
    %get3A_147 = tpu.vector_load %arg7[%get3A_146] {strides = array<i32>} : memref<512xf32, #tpu.memory_space<vmem>>, vector<16xf32>,
    %get3A_148 = vector.shape_cast %get3A_147 : vector<16xf32> to vector<16xf32>
    %get3A_149 = arith.constant 48 : index
    %get3A_150 = tpu.vector_load %arg8[%get3A_149] {strides = array<i32>} : memref<512xf32, #tpu.memory_space<vmem>>, vector<16xf32>,
    %get3A_151 = vector.shape_cast %get3A_150 : vector<16xf32> to vector<16xf32>
    %abs3A_152 = math.absf %get3A_148 : vector<16xf32>
    %neg3A_153 = arith.constant 0.000000e+00 : f32
    %neg3A_154 = vector.broadcast %neg3A_153 : f32 to vector<16xf32>
    %neg3A_155 = arith.subf %neg3A_154, %abs3A_152 : vector<16xf32>
    %exp3A_156 = math.exp %neg3A_155 : vector<16xf32>
    %mul3A_157 = arith.constant 0.0298087653 : f32
    %mul3A_158 = vector.broadcast %mul3A_157 : f32 to vector<16xf32>
    %mul3A_159 = arith.mulf %mul3A_158, %exp3A_156 : vector<16xf32>
    %add3A_160 = arith.constant -0.129957199 : f32
    %add3A_161 = vector.broadcast %add3A_160 : f32 to vector<16xf32>
    %add3A_162 = arith.addf %mul3A_159, %add3A_161 : vector<16xf32>
    %mul3A_163 = arith.mulf %add3A_162, %exp3A_156 : vector<16xf32>
    %add3A_164 = arith.constant 0.283823192 : f32
    %add3A_165 = vector.broadcast %add3A_164 : f32 to vector<16xf32>
    %add3A_166 = arith.addf %mul3A_163, %add3A_165 : vector<16xf32>
    %mul3A_167 = arith.mulf %add3A_166, %exp3A_156 : vector<16xf32>
    %add3A_168 = arith.constant -0.489699095 : f32
    %add3A_169 = vector.broadcast %add3A_168 : f32 to vector<16xf32>
    %add3A_170 = arith.addf %mul3A_167, %add3A_169 : vector<16xf32>
    %mul3A_171 = arith.mulf %add3A_170, %exp3A_156 : vector<16xf32>
    %add3A_172 = arith.constant 0.999166429 : f32
    %add3A_173 = vector.broadcast %add3A_172 : f32 to vector<16xf32>
    %add3A_174 = arith.addf %mul3A_171, %add3A_173 : vector<16xf32>
    %mul3A_175 = arith.mulf %add3A_174, %exp3A_156 : vector<16xf32>
    %add3A_176 = arith.constant 1.14470977E-5 : f32
    %add3A_177 = vector.broadcast %add3A_176 : f32 to vector<16xf32>
    %add3A_178 = arith.addf %mul3A_175, %add3A_177 : vector<16xf32>
    %min3A_179 = arith.constant 0.000000e+00 : f32
    %min3A_180 = vector.broadcast %min3A_179 : f32 to vector<16xf32>
    %min3A_181 = arith.minimumf %get3A_148, %min3A_180 : vector<16xf32>
    %sub3A_182 = arith.subf %add3A_178, %min3A_181 : vector<16xf32>
    %mul3A_183 = arith.mulf %sub3A_182, %get3A_151 : vector<16xf32>
    %swap3A_184 = arith.constant 48 : index
    %swap3A_185 = tpu.vector_load %arg9[%swap3A_184] {strides = array<i32>} : memref<512xf32, #tpu.memory_space<vmem>>, vector<16xf32>,
    %swap3A_186 = vector.shape_cast %swap3A_185 : vector<16xf32> to vector<16xf32>
    %swap3A_187 = vector.shape_cast %mul3A_183 : vector<16xf32> to vector<16xf32>
    tpu.vector_store %arg9[%swap3A_184], %swap3A_187 {strides = array<i32>} : memref<512xf32, #tpu.memory_space<vmem>>, vector<16xf32>,
    %get3A_188 = arith.constant 64 : index
    %get3A_189 = tpu.vector_load %arg7[%get3A_188] {strides = array<i32>} : memref<512xf32, #tpu.memory_space<vmem>>, vector<16xf32>,
    %get3A_190 = vector.shape_cast %get3A_189 : vector<16xf32> to vector<16xf32>
    %get3A_191 = arith.constant 64 : index
    %get3A_192 = tpu.vector_load %arg8[%get3A_191] {strides = array<i32>} : memref<512xf32, #tpu.memory_space<vmem>>, vector<16xf32>,
    %get3A_193 = vector.shape_cast %get3A_192 : vector<16xf32> to vector<16xf32>
    %abs3A_194 = math.absf %get3A_190 : vector<16xf32>
    %neg3A_195 = arith.constant 0.000000e+00 : f32
    %neg3A_196 = vector.broadcast %neg3A_195 : f32 to vector<16xf32>
    %neg3A_197 = arith.subf %neg3A_196, %abs3A_194 : vector<16xf32>
    %exp3A_198 = math.exp %neg3A_197 : vector<16xf32>
    %mul3A_199 = arith.constant 0.0298087653 : f32
    %mul3A_200 = vector.broadcast %mul3A_199 : f32 to vector<16xf32>
    %mul3A_201 = arith.mulf %mul3A_200, %exp3A_198 : vector<16xf32>
    %add3A_202 = arith.constant -0.129957199 : f32
    %add3A_203 = vector.broadcast %add3A_202 : f32 to vector<16xf32>
    %add3A_204 = arith.addf %mul3A_201, %add3A_203 : vector<16xf32>
    %mul3A_205 = arith.mulf %add3A_204, %exp3A_198 : vector<16xf32>
    %add3A_206 = arith.constant 0.283823192 : f32
    %add3A_207 = vector.broadcast %add3A_206 : f32 to vector<16xf32>
    %add3A_208 = arith.addf %mul3A_205, %add3A_207 : vector<16xf32>
    %mul3A_209 = arith.mulf %add3A_208, %exp3A_198 : vector<16xf32>
    %add3A_210 = arith.constant -0.489699095 : f32
    %add3A_211 = vector.broadcast %add3A_210 : f32 to vector<16xf32>
    %add3A_212 = arith.addf %mul3A_209, %add3A_211 : vector<16xf32>
    %mul3A_213 = arith.mulf %add3A_212, %exp3A_198 : vector<16xf32>
    %add3A_214 = arith.constant 0.999166429 : f32
    %add3A_215 = vector.broadcast %add3A_214 : f32 to vector<16xf32>
    %add3A_216 = arith.addf %mul3A_213, %add3A_215 : vector<16xf32>
    %mul3A_217 = arith.mulf %add3A_216, %exp3A_198 : vector<16xf32>
    %add3A_218 = arith.constant 1.14470977E-5 : f32
    %add3A_219 = vector.broadcast %add3A_218 : f32 to vector<16xf32>
    %add3A_220 = arith.addf %mul3A_217, %add3A_219 : vector<16xf32>
    %min3A_221 = arith.constant 0.000000e+00 : f32
    %min3A_222 = vector.broadcast %min3A_221 : f32 to vector<16xf32>
    %min3A_223 = arith.minimumf %get3A_190, %min3A_222 : vector<16xf32>
    %sub3A_224 = arith.subf %add3A_220, %min3A_223 : vector<16xf32>
    %mul3A_225 = arith.mulf %sub3A_224, %get3A_193 : vector<16xf32>
    %swap3A_226 = arith.constant 64 : index
    %swap3A_227 = tpu.vector_load %arg9[%swap3A_226] {strides = array<i32>} : memref<512xf32, #tpu.memory_space<vmem>>, vector<16xf32>,
    %swap3A_228 = vector.shape_cast %swap3A_227 : vector<16xf32> to vector<16xf32>
    %swap3A_229 = vector.shape_cast %mul3A_225 : vector<16xf32> to vector<16xf32>
    tpu.vector_store %arg9[%swap3A_226], %swap3A_229 {strides = array<i32>} : memref<512xf32, #tpu.memory_space<vmem>>, vector<16xf32>,
    %get3A_230 = arith.constant 80 : index
    %get3A_231 = tpu.vector_load %arg7[%get3A_230] {strides = array<i32>} : memref<512xf32, #tpu.memory_space<vmem>>, vector<16xf32>,
    %get3A_232 = vector.shape_cast %get3A_231 : vector<16xf32> to vector<16xf32>
    %get3A_233 = arith.constant 80 : index
    %get3A_234 = tpu.vector_load %arg8[%get3A_233] {strides = array<i32>} : memref<512xf32, #tpu.memory_space<vmem>>, vector<16xf32>,
    %get3A_235 = vector.shape_cast %get3A_234 : vector<16xf32> to vector<16xf32>
    %abs3A_236 = math.absf %get3A_232 : vector<16xf32>
    %neg3A_237 = arith.constant 0.000000e+00 : f32
    %neg3A_238 = vector.broadcast %neg3A_237 : f32 to vector<16xf32>
    %neg3A_239 = arith.subf %neg3A_238, %abs3A_236 : vector<16xf32>
    %exp3A_240 = math.exp %neg3A_239 : vector<16xf32>
    %mul3A_241 = arith.constant 0.0298087653 : f32
    %mul3A_242 = vector.broadcast %mul3A_241 : f32 to vector<16xf32>
    %mul3A_243 = arith.mulf %mul3A_242, %exp3A_240 : vector<16xf32>
    %add3A_244 = arith.constant -0.129957199 : f32
    %add3A_245 = vector.broadcast %add3A_244 : f32 to vector<16xf32>
    %add3A_246 = arith.addf %mul3A_243, %add3A_245 : vector<16xf32>
    %mul3A_247 = arith.mulf %add3A_246, %exp3A_240 : vector<16xf32>
    %add3A_248 = arith.constant 0.283823192 : f32
    %add3A_249 = vector.broadcast %add3A_248 : f32 to vector<16xf32>
    %add3A_250 = arith.addf %mul3A_247, %add3A_249 : vector<16xf32>
    %mul3A_251 = arith.mulf %add3A_250, %exp3A_240 : vector<16xf32>
    %add3A_252 = arith.constant -0.489699095 : f32
    %add3A_253 = vector.broadcast %add3A_252 : f32 to vector<16xf32>
    %add3A_254 = arith.addf %mul3A_251, %add3A_253 : vector<16xf32>
    %mul3A_255 = arith.mulf %add3A_254, %exp3A_240 : vector<16xf32>
    %add3A_256 = arith.constant 0.999166429 : f32
    %add3A_257 = vector.broadcast %add3A_256 : f32 to vector<16xf32>
    %add3A_258 = arith.addf %mul3A_255, %add3A_257 : vector<16xf32>
    %mul3A_259 = arith.mulf %add3A_258, %exp3A_240 : vector<16xf32>
    %add3A_260 = arith.constant 1.14470977E-5 : f32
    %add3A_261 = vector.broadcast %add3A_260 : f32 to vector<16xf32>
    %add3A_262 = arith.addf %mul3A_259, %add3A_261 : vector<16xf32>
    %min3A_263 = arith.constant 0.000000e+00 : f32
    %min3A_264 = vector.broadcast %min3A_263 : f32 to vector<16xf32>
    %min3A_265 = arith.minimumf %get3A_232, %min3A_264 : vector<16xf32>
    %sub3A_266 = arith.subf %add3A_262, %min3A_265 : vector<16xf32>
    %mul3A_267 = arith.mulf %sub3A_266, %get3A_235 : vector<16xf32>
    %swap3A_268 = arith.constant 80 : index
    %swap3A_269 = tpu.vector_load %arg9[%swap3A_268] {strides = array<i32>} : memref<512xf32, #tpu.memory_space<vmem>>, vector<16xf32>,
    %swap3A_270 = vector.shape_cast %swap3A_269 : vector<16xf32> to vector<16xf32>
    %swap3A_271 = vector.shape_cast %mul3A_267 : vector<16xf32> to vector<16xf32>
    tpu.vector_store %arg9[%swap3A_268], %swap3A_271 {strides = array<i32>} : memref<512xf32, #tpu.memory_space<vmem>>, vector<16xf32>,
    %get3A_272 = arith.constant 96 : index
    %get3A_273 = tpu.vector_load %arg7[%get3A_272] {strides = array<i32>} : memref<512xf32, #tpu.memory_space<vmem>>, vector<16xf32>,
    %get3A_274 = vector.shape_cast %get3A_273 : vector<16xf32> to vector<16xf32>
    %get3A_275 = arith.constant 96 : index
    %get3A_276 = tpu.vector_load %arg8[%get3A_275] {strides = array<i32>} : memref<512xf32, #tpu.memory_space<vmem>>, vector<16xf32>,
    %get3A_277 = vector.shape_cast %get3A_276 : vector<16xf32> to vector<16xf32>
    %abs3A_278 = math.absf %get3A_274 : vector<16xf32>
    %neg3A_279 = arith.constant 0.000000e+00 : f32
    %neg3A_280 = vector.broadcast %neg3A_279 : f32 to vector<16xf32>
    %neg3A_281 = arith.subf %neg3A_280, %abs3A_278 : vector<16xf32>
    %exp3A_282 = math.exp %neg3A_281 : vector<16xf32>
    %mul3A_283 = arith.constant 0.0298087653 : f32
    %mul3A_284 = vector.broadcast %mul3A_283 : f32 to vector<16xf32>
    %mul3A_285 = arith.mulf %mul3A_284, %exp3A_282 : vector<16xf32>
    %add3A_286 = arith.constant -0.129957199 : f32
    %add3A_287 = vector.broadcast %add3A_286 : f32 to vector<16xf32>
    %add3A_288 = arith.addf %mul3A_285, %add3A_287 : vector<16xf32>
    %mul3A_289 = arith.mulf %add3A_288, %exp3A_282 : vector<16xf32>
    %add3A_290 = arith.constant 0.283823192 : f32
    %add3A_291 = vector.broadcast %add3A_290 : f32 to vector<16xf32>
    %add3A_292 = arith.addf %mul3A_289, %add3A_291 : vector<16xf32>
    %mul3A_293 = arith.mulf %add3A_292, %exp3A_282 : vector<16xf32>
    %add3A_294 = arith.constant -0.489699095 : f32
    %add3A_295 = vector.broadcast %add3A_294 : f32 to vector<16xf32>
    %add3A_296 = arith.addf %mul3A_293, %add3A_295 : vector<16xf32>
    %mul3A_297 = arith.mulf %add3A_296, %exp3A_282 : vector<16xf32>
    %add3A_298 = arith.constant 0.999166429 : f32
    %add3A_299 = vector.broadcast %add3A_298 : f32 to vector<16xf32>
    %add3A_300 = arith.addf %mul3A_297, %add3A_299 : vector<16xf32>
    %mul3A_301 = arith.mulf %add3A_300, %exp3A_282 : vector<16xf32>
    %add3A_302 = arith.constant 1.14470977E-5 : f32
    %add3A_303 = vector.broadcast %add3A_302 : f32 to vector<16xf32>
    %add3A_304 = arith.addf %mul3A_301, %add3A_303 : vector<16xf32>
    %min3A_305 = arith.constant 0.000000e+00 : f32
    %min3A_306 = vector.broadcast %min3A_305 : f32 to vector<16xf32>
    %min3A_307 = arith.minimumf %get3A_274, %min3A_306 : vector<16xf32>
    %sub3A_308 = arith.subf %add3A_304, %min3A_307 : vector<16xf32>
    %mul3A_309 = arith.mulf %sub3A_308, %get3A_277 : vector<16xf32>
    %swap3A_310 = arith.constant 96 : index
    %swap3A_311 = tpu.vector_load %arg9[%swap3A_310] {strides = array<i32>} : memref<512xf32, #tpu.memory_space<vmem>>, vector<16xf32>,
    %swap3A_312 = vector.shape_cast %swap3A_311 : vector<16xf32> to vector<16xf32>
    %swap3A_313 = vector.shape_cast %mul3A_309 : vector<16xf32> to vector<16xf32>
    tpu.vector_store %arg9[%swap3A_310], %swap3A_313 {strides = array<i32>} : memref<512xf32, #tpu.memory_space<vmem>>, vector<16xf32>,
    %get3A_314 = arith.constant 112 : index
    %get3A_315 = tpu.vector_load %arg7[%get3A_314] {strides = array<i32>} : memref<512xf32, #tpu.memory_space<vmem>>, vector<16xf32>,
    %get3A_316 = vector.shape_cast %get3A_315 : vector<16xf32> to vector<16xf32>
    %get3A_317 = arith.constant 112 : index
    %get3A_318 = tpu.vector_load %arg8[%get3A_317] {strides = array<i32>} : memref<512xf32, #tpu.memory_space<vmem>>, vector<16xf32>,
    %get3A_319 = vector.shape_cast %get3A_318 : vector<16xf32> to vector<16xf32>
    %abs3A_320 = math.absf %get3A_316 : vector<16xf32>
    %neg3A_321 = arith.constant 0.000000e+00 : f32
    %neg3A_322 = vector.broadcast %neg3A_321 : f32 to vector<16xf32>
    %neg3A_323 = arith.subf %neg3A_322, %abs3A_320 : vector<16xf32>
    %exp3A_324 = math.exp %neg3A_323 : vector<16xf32>
    %mul3A_325 = arith.constant 0.0298087653 : f32
    %mul3A_326 = vector.broadcast %mul3A_325 : f32 to vector<16xf32>
    %mul3A_327 = arith.mulf %mul3A_326, %exp3A_324 : vector<16xf32>
    %add3A_328 = arith.constant -0.129957199 : f32
    %add3A_329 = vector.broadcast %add3A_328 : f32 to vector<16xf32>
    %add3A_330 = arith.addf %mul3A_327, %add3A_329 : vector<16xf32>
    %mul3A_331 = arith.mulf %add3A_330, %exp3A_324 : vector<16xf32>
    %add3A_332 = arith.constant 0.283823192 : f32
    %add3A_333 = vector.broadcast %add3A_332 : f32 to vector<16xf32>
    %add3A_334 = arith.addf %mul3A_331, %add3A_333 : vector<16xf32>
    %mul3A_335 = arith.mulf %add3A_334, %exp3A_324 : vector<16xf32>
    %add3A_336 = arith.constant -0.489699095 : f32
    %add3A_337 = vector.broadcast %add3A_336 : f32 to vector<16xf32>
    %add3A_338 = arith.addf %mul3A_335, %add3A_337 : vector<16xf32>
    %mul3A_339 = arith.mulf %add3A_338, %exp3A_324 : vector<16xf32>
    %add3A_340 = arith.constant 0.999166429 : f32
    %add3A_341 = vector.broadcast %add3A_340 : f32 to vector<16xf32>
    %add3A_342 = arith.addf %mul3A_339, %add3A_341 : vector<16xf32>
    %mul3A_343 = arith.mulf %add3A_342, %exp3A_324 : vector<16xf32>
    %add3A_344 = arith.constant 1.14470977E-5 : f32
    %add3A_345 = vector.broadcast %add3A_344 : f32 to vector<16xf32>
    %add3A_346 = arith.addf %mul3A_343, %add3A_345 : vector<16xf32>
    %min3A_347 = arith.constant 0.000000e+00 : f32
    %min3A_348 = vector.broadcast %min3A_347 : f32 to vector<16xf32>
    %min3A_349 = arith.minimumf %get3A_316, %min3A_348 : vector<16xf32>
    %sub3A_350 = arith.subf %add3A_346, %min3A_349 : vector<16xf32>
    %mul3A_351 = arith.mulf %sub3A_350, %get3A_319 : vector<16xf32>
    %swap3A_352 = arith.constant 112 : index
    %swap3A_353 = tpu.vector_load %arg9[%swap3A_352] {strides = array<i32>} : memref<512xf32, #tpu.memory_space<vmem>>, vector<16xf32>,
    %swap3A_354 = vector.shape_cast %swap3A_353 : vector<16xf32> to vector<16xf32>
    %swap3A_355 = vector.shape_cast %mul3A_351 : vector<16xf32> to vector<16xf32>
    tpu.vector_store %arg9[%swap3A_352], %swap3A_355 {strides = array<i32>} : memref<512xf32, #tpu.memory_space<vmem>>, vector<16xf32>,
    %get3A_356 = arith.constant 128 : index
    %get3A_357 = tpu.vector_load %arg7[%get3A_356] {strides = array<i32>} : memref<512xf32, #tpu.memory_space<vmem>>, vector<16xf32>,
    %get3A_358 = vector.shape_cast %get3A_357 : vector<16xf32> to vector<16xf32>
    %get3A_359 = arith.constant 128 : index
    %get3A_360 = tpu.vector_load %arg8[%get3A_359] {strides = array<i32>} : memref<512xf32, #tpu.memory_space<vmem>>, vector<16xf32>,
    %get3A_361 = vector.shape_cast %get3A_360 : vector<16xf32> to vector<16xf32>
    %abs3A_362 = math.absf %get3A_358 : vector<16xf32>
    %neg3A_363 = arith.constant 0.000000e+00 : f32
    %neg3A_364 = vector.broadcast %neg3A_363 : f32 to vector<16xf32>
    %neg3A_365 = arith.subf %neg3A_364, %abs3A_362 : vector<16xf32>
    %exp3A_366 = math.exp %neg3A_365 : vector<16xf32>
    %mul3A_367 = arith.constant 0.0298087653 : f32
    %mul3A_368 = vector.broadcast %mul3A_367 : f32 to vector<16xf32>
    %mul3A_369 = arith.mulf %mul3A_368, %exp3A_366 : vector<16xf32>
    %add3A_370 = arith.constant -0.129957199 : f32
    %add3A_371 = vector.broadcast %add3A_370 : f32 to vector<16xf32>
    %add3A_372 = arith.addf %mul3A_369, %add3A_371 : vector<16xf32>
    %mul3A_373 = arith.mulf %add3A_372, %exp3A_366 : vector<16xf32>
    %add3A_374 = arith.constant 0.283823192 : f32
    %add3A_375 = vector.broadcast %add3A_374 : f32 to vector<16xf32>
    %add3A_376 = arith.addf %mul3A_373, %add3A_375 : vector<16xf32>
    %mul3A_377 = arith.mulf %add3A_376, %exp3A_366 : vector<16xf32>
    %add3A_378 = arith.constant -0.489699095 : f32
    %add3A_379 = vector.broadcast %add3A_378 : f32 to vector<16xf32>
    %add3A_380 = arith.addf %mul3A_377, %add3A_379 : vector<16xf32>
    %mul3A_381 = arith.mulf %add3A_380, %exp3A_366 : vector<16xf32>
    %add3A_382 = arith.constant 0.999166429 : f32
    %add3A_383 = vector.broadcast %add3A_382 : f32 to vector<16xf32>
    %add3A_384 = arith.addf %mul3A_381, %add3A_383 : vector<16xf32>
    %mul3A_385 = arith.mulf %add3A_384, %exp3A_366 : vector<16xf32>
    %add3A_386 = arith.constant 1.14470977E-5 : f32
    %add3A_387 = vector.broadcast %add3A_386 : f32 to vector<16xf32>
    %add3A_388 = arith.addf %mul3A_385, %add3A_387 : vector<16xf32>
    %min3A_389 = arith.constant 0.000000e+00 : f32
    %min3A_390 = vector.broadcast %min3A_389 : f32 to vector<16xf32>
    %min3A_391 = arith.minimumf %get3A_358, %min3A_390 : vector<16xf32>
    %sub3A_392 = arith.subf %add3A_388, %min3A_391 : vector<16xf32>
    %mul3A_393 = arith.mulf %sub3A_392, %get3A_361 : vector<16xf32>
    %swap3A_394 = arith.constant 128 : index
    %swap3A_395 = tpu.vector_load %arg9[%swap3A_394] {strides = array<i32>} : memref<512xf32, #tpu.memory_space<vmem>>, vector<16xf32>,
    %swap3A_396 = vector.shape_cast %swap3A_395 : vector<16xf32> to vector<16xf32>
    %swap3A_397 = vector.shape_cast %mul3A_393 : vector<16xf32> to vector<16xf32>
    tpu.vector_store %arg9[%swap3A_394], %swap3A_397 {strides = array<i32>} : memref<512xf32, #tpu.memory_space<vmem>>, vector<16xf32>,
    %get3A_398 = arith.constant 144 : index
    %get3A_399 = tpu.vector_load %arg7[%get3A_398] {strides = array<i32>} : memref<512xf32, #tpu.memory_space<vmem>>, vector<16xf32>,
    %get3A_400 = vector.shape_cast %get3A_399 : vector<16xf32> to vector<16xf32>
    %get3A_401 = arith.constant 144 : index
    %get3A_402 = tpu.vector_load %arg8[%get3A_401] {strides = array<i32>} : memref<512xf32, #tpu.memory_space<vmem>>, vector<16xf32>,
    %get3A_403 = vector.shape_cast %get3A_402 : vector<16xf32> to vector<16xf32>
    %abs3A_404 = math.absf %get3A_400 : vector<16xf32>
    %neg3A_405 = arith.constant 0.000000e+00 : f32
    %neg3A_406 = vector.broadcast %neg3A_405 : f32 to vector<16xf32>
    %neg3A_407 = arith.subf %neg3A_406, %abs3A_404 : vector<16xf32>
    %exp3A_408 = math.exp %neg3A_407 : vector<16xf32>
    %mul3A_409 = arith.constant 0.0298087653 : f32
    %mul3A_410 = vector.broadcast %mul3A_409 : f32 to vector<16xf32>
    %mul3A_411 = arith.mulf %mul3A_410, %exp3A_408 : vector<16xf32>
    %add3A_412 = arith.constant -0.129957199 : f32
    %add3A_413 = vector.broadcast %add3A_412 : f32 to vector<16xf32>
    %add3A_414 = arith.addf %mul3A_411, %add3A_413 : vector<16xf32>
    %mul3A_415 = arith.mulf %add3A_414, %exp3A_408 : vector<16xf32>
    %add3A_416 = arith.constant 0.283823192 : f32
    %add3A_417 = vector.broadcast %add3A_416 : f32 to vector<16xf32>
    %add3A_418 = arith.addf %mul3A_415, %add3A_417 : vector<16xf32>
    %mul3A_419 = arith.mulf %add3A_418, %exp3A_408 : vector<16xf32>
    %add3A_420 = arith.constant -0.489699095 : f32
    %add3A_421 = vector.broadcast %add3A_420 : f32 to vector<16xf32>
    %add3A_422 = arith.addf %mul3A_419, %add3A_421 : vector<16xf32>
    %mul3A_423 = arith.mulf %add3A_422, %exp3A_408 : vector<16xf32>
    %add3A_424 = arith.constant 0.999166429 : f32
    %add3A_425 = vector.broadcast %add3A_424 : f32 to vector<16xf32>
    %add3A_426 = arith.addf %mul3A_423, %add3A_425 : vector<16xf32>
    %mul3A_427 = arith.mulf %add3A_426, %exp3A_408 : vector<16xf32>
    %add3A_428 = arith.constant 1.14470977E-5 : f32
    %add3A_429 = vector.broadcast %add3A_428 : f32 to vector<16xf32>
    %add3A_430 = arith.addf %mul3A_427, %add3A_429 : vector<16xf32>
    %min3A_431 = arith.constant 0.000000e+00 : f32
    %min3A_432 = vector.broadcast %min3A_431 : f32 to vector<16xf32>
    %min3A_433 = arith.minimumf %get3A_400, %min3A_432 : vector<16xf32>
    %sub3A_434 = arith.subf %add3A_430, %min3A_433 : vector<16xf32>
    %mul3A_435 = arith.mulf %sub3A_434, %get3A_403 : vector<16xf32>
    %swap3A_436 = arith.constant 144 : index
    %swap3A_437 = tpu.vector_load %arg9[%swap3A_436] {strides = array<i32>} : memref<512xf32, #tpu.memory_space<vmem>>, vector<16xf32>,
    %swap3A_438 = vector.shape_cast %swap3A_437 : vector<16xf32> to vector<16xf32>
    %swap3A_439 = vector.shape_cast %mul3A_435 : vector<16xf32> to vector<16xf32>
    tpu.vector_store %arg9[%swap3A_436], %swap3A_439 {strides = array<i32>} : memref<512xf32, #tpu.memory_space<vmem>>, vector<16xf32>,
    %get3A_440 = arith.constant 160 : index
    %get3A_441 = tpu.vector_load %arg7[%get3A_440] {strides = array<i32>} : memref<512xf32, #tpu.memory_space<vmem>>, vector<16xf32>,
    %get3A_442 = vector.shape_cast %get3A_441 : vector<16xf32> to vector<16xf32>
    %get3A_443 = arith.constant 160 : index
    %get3A_444 = tpu.vector_load %arg8[%get3A_443] {strides = array<i32>} : memref<512xf32, #tpu.memory_space<vmem>>, vector<16xf32>,
    %get3A_445 = vector.shape_cast %get3A_444 : vector<16xf32> to vector<16xf32>
    %abs3A_446 = math.absf %get3A_442 : vector<16xf32>
    %neg3A_447 = arith.constant 0.000000e+00 : f32
    %neg3A_448 = vector.broadcast %neg3A_447 : f32 to vector<16xf32>
    %neg3A_449 = arith.subf %neg3A_448, %abs3A_446 : vector<16xf32>
    %exp3A_450 = math.exp %neg3A_449 : vector<16xf32>
    %mul3A_451 = arith.constant 0.0298087653 : f32
    %mul3A_452 = vector.broadcast %mul3A_451 : f32 to vector<16xf32>
    %mul3A_453 = arith.mulf %mul3A_452, %exp3A_450 : vector<16xf32>
    %add3A_454 = arith.constant -0.129957199 : f32
    %add3A_455 = vector.broadcast %add3A_454 : f32 to vector<16xf32>
    %add3A_456 = arith.addf %mul3A_453, %add3A_455 : vector<16xf32>
    %mul3A_457 = arith.mulf %add3A_456, %exp3A_450 : vector<16xf32>
    %add3A_458 = arith.constant 0.283823192 : f32
    %add3A_459 = vector.broadcast %add3A_458 : f32 to vector<16xf32>
    %add3A_460 = arith.addf %mul3A_457, %add3A_459 : vector<16xf32>
    %mul3A_461 = arith.mulf %add3A_460, %exp3A_450 : vector<16xf32>
    %add3A_462 = arith.constant -0.489699095 : f32
    %add3A_463 = vector.broadcast %add3A_462 : f32 to vector<16xf32>
    %add3A_464 = arith.addf %mul3A_461, %add3A_463 : vector<16xf32>
    %mul3A_465 = arith.mulf %add3A_464, %exp3A_450 : vector<16xf32>
    %add3A_466 = arith.constant 0.999166429 : f32
    %add3A_467 = vector.broadcast %add3A_466 : f32 to vector<16xf32>
    %add3A_468 = arith.addf %mul3A_465, %add3A_467 : vector<16xf32>
    %mul3A_469 = arith.mulf %add3A_468, %exp3A_450 : vector<16xf32>
    %add3A_470 = arith.constant 1.14470977E-5 : f32
    %add3A_471 = vector.broadcast %add3A_470 : f32 to vector<16xf32>
    %add3A_472 = arith.addf %mul3A_469, %add3A_471 : vector<16xf32>
    %min3A_473 = arith.constant 0.000000e+00 : f32
    %min3A_474 = vector.broadcast %min3A_473 : f32 to vector<16xf32>
    %min3A_475 = arith.minimumf %get3A_442, %min3A_474 : vector<16xf32>
    %sub3A_476 = arith.subf %add3A_472, %min3A_475 : vector<16xf32>
    %mul3A_477 = arith.mulf %sub3A_476, %get3A_445 : vector<16xf32>
    %swap3A_478 = arith.constant 160 : index
    %swap3A_479 = tpu.vector_load %arg9[%swap3A_478] {strides = array<i32>} : memref<512xf32, #tpu.memory_space<vmem>>, vector<16xf32>,
    %swap3A_480 = vector.shape_cast %swap3A_479 : vector<16xf32> to vector<16xf32>
    %swap3A_481 = vector.shape_cast %mul3A_477 : vector<16xf32> to vector<16xf32>
    tpu.vector_store %arg9[%swap3A_478], %swap3A_481 {strides = array<i32>} : memref<512xf32, #tpu.memory_space<vmem>>, vector<16xf32>,
    %get3A_482 = arith.constant 176 : index
    %get3A_483 = tpu.vector_load %arg7[%get3A_482] {strides = array<i32>} : memref<512xf32, #tpu.memory_space<vmem>>, vector<16xf32>,
    %get3A_484 = vector.shape_cast %get3A_483 : vector<16xf32> to vector<16xf32>
    %get3A_485 = arith.constant 176 : index
    %get3A_486 = tpu.vector_load %arg8[%get3A_485] {strides = array<i32>} : memref<512xf32, #tpu.memory_space<vmem>>, vector<16xf32>,
    %get3A_487 = vector.shape_cast %get3A_486 : vector<16xf32> to vector<16xf32>
    %abs3A_488 = math.absf %get3A_484 : vector<16xf32>
    %neg3A_489 = arith.constant 0.000000e+00 : f32
    %neg3A_490 = vector.broadcast %neg3A_489 : f32 to vector<16xf32>
    %neg3A_491 = arith.subf %neg3A_490, %abs3A_488 : vector<16xf32>
    %exp3A_492 = math.exp %neg3A_491 : vector<16xf32>
    %mul3A_493 = arith.constant 0.0298087653 : f32
    %mul3A_494 = vector.broadcast %mul3A_493 : f32 to vector<16xf32>
    %mul3A_495 = arith.mulf %mul3A_494, %exp3A_492 : vector<16xf32>
    %add3A_496 = arith.constant -0.129957199 : f32
    %add3A_497 = vector.broadcast %add3A_496 : f32 to vector<16xf32>
    %add3A_498 = arith.addf %mul3A_495, %add3A_497 : vector<16xf32>
    %mul3A_499 = arith.mulf %add3A_498, %exp3A_492 : vector<16xf32>
    %add3A_500 = arith.constant 0.283823192 : f32
    %add3A_501 = vector.broadcast %add3A_500 : f32 to vector<16xf32>
    %add3A_502 = arith.addf %mul3A_499, %add3A_501 : vector<16xf32>
    %mul3A_503 = arith.mulf %add3A_502, %exp3A_492 : vector<16xf32>
    %add3A_504 = arith.constant -0.489699095 : f32
    %add3A_505 = vector.broadcast %add3A_504 : f32 to vector<16xf32>
    %add3A_506 = arith.addf %mul3A_503, %add3A_505 : vector<16xf32>
    %mul3A_507 = arith.mulf %add3A_506, %exp3A_492 : vector<16xf32>
    %add3A_508 = arith.constant 0.999166429 : f32
    %add3A_509 = vector.broadcast %add3A_508 : f32 to vector<16xf32>
    %add3A_510 = arith.addf %mul3A_507, %add3A_509 : vector<16xf32>
    %mul3A_511 = arith.mulf %add3A_510, %exp3A_492 : vector<16xf32>
    %add3A_512 = arith.constant 1.14470977E-5 : f32
    %add3A_513 = vector.broadcast %add3A_512 : f32 to vector<16xf32>
    %add3A_514 = arith.addf %mul3A_511, %add3A_513 : vector<16xf32>
    %min3A_515 = arith.constant 0.000000e+00 : f32
    %min3A_516 = vector.broadcast %min3A_515 : f32 to vector<16xf32>
    %min3A_517 = arith.minimumf %get3A_484, %min3A_516 : vector<16xf32>
    %sub3A_518 = arith.subf %add3A_514, %min3A_517 : vector<16xf32>
    %mul3A_519 = arith.mulf %sub3A_518, %get3A_487 : vector<16xf32>
    %swap3A_520 = arith.constant 176 : index
    %swap3A_521 = tpu.vector_load %arg9[%swap3A_520] {strides = array<i32>} : memref<512xf32, #tpu.memory_space<vmem>>, vector<16xf32>,
    %swap3A_522 = vector.shape_cast %swap3A_521 : vector<16xf32> to vector<16xf32>
    %swap3A_523 = vector.shape_cast %mul3A_519 : vector<16xf32> to vector<16xf32>
    tpu.vector_store %arg9[%swap3A_520], %swap3A_523 {strides = array<i32>} : memref<512xf32, #tpu.memory_space<vmem>>, vector<16xf32>,
    %get3A_524 = arith.constant 192 : index
    %get3A_525 = tpu.vector_load %arg7[%get3A_524] {strides = array<i32>} : memref<512xf32, #tpu.memory_space<vmem>>, vector<16xf32>,
    %get3A_526 = vector.shape_cast %get3A_525 : vector<16xf32> to vector<16xf32>
    %get3A_527 = arith.constant 192 : index
    %get3A_528 = tpu.vector_load %arg8[%get3A_527] {strides = array<i32>} : memref<512xf32, #tpu.memory_space<vmem>>, vector<16xf32>,
    %get3A_529 = vector.shape_cast %get3A_528 : vector<16xf32> to vector<16xf32>
    %abs3A_530 = math.absf %get3A_526 : vector<16xf32>
    %neg3A_531 = arith.constant 0.000000e+00 : f32
    %neg3A_532 = vector.broadcast %neg3A_531 : f32 to vector<16xf32>
    %neg3A_533 = arith.subf %neg3A_532, %abs3A_530 : vector<16xf32>
    %exp3A_534 = math.exp %neg3A_533 : vector<16xf32>
    %mul3A_535 = arith.constant 0.0298087653 : f32
    %mul3A_536 = vector.broadcast %mul3A_535 : f32 to vector<16xf32>
    %mul3A_537 = arith.mulf %mul3A_536, %exp3A_534 : vector<16xf32>
    %add3A_538 = arith.constant -0.129957199 : f32
    %add3A_539 = vector.broadcast %add3A_538 : f32 to vector<16xf32>
    %add3A_540 = arith.addf %mul3A_537, %add3A_539 : vector<16xf32>
    %mul3A_541 = arith.mulf %add3A_540, %exp3A_534 : vector<16xf32>
    %add3A_542 = arith.constant 0.283823192 : f32
    %add3A_543 = vector.broadcast %add3A_542 : f32 to vector<16xf32>
    %add3A_544 = arith.addf %mul3A_541, %add3A_543 : vector<16xf32>
    %mul3A_545 = arith.mulf %add3A_544, %exp3A_534 : vector<16xf32>
    %add3A_546 = arith.constant -0.489699095 : f32
    %add3A_547 = vector.broadcast %add3A_546 : f32 to vector<16xf32>
    %add3A_548 = arith.addf %mul3A_545, %add3A_547 : vector<16xf32>
    %mul3A_549 = arith.mulf %add3A_548, %exp3A_534 : vector<16xf32>
    %add3A_550 = arith.constant 0.999166429 : f32
    %add3A_551 = vector.broadcast %add3A_550 : f32 to vector<16xf32>
    %add3A_552 = arith.addf %mul3A_549, %add3A_551 : vector<16xf32>
    %mul3A_553 = arith.mulf %add3A_552, %exp3A_534 : vector<16xf32>
    %add3A_554 = arith.constant 1.14470977E-5 : f32
    %add3A_555 = vector.broadcast %add3A_554 : f32 to vector<16xf32>
    %add3A_556 = arith.addf %mul3A_553, %add3A_555 : vector<16xf32>
    %min3A_557 = arith.constant 0.000000e+00 : f32
    %min3A_558 = vector.broadcast %min3A_557 : f32 to vector<16xf32>
    %min3A_559 = arith.minimumf %get3A_526, %min3A_558 : vector<16xf32>
    %sub3A_560 = arith.subf %add3A_556, %min3A_559 : vector<16xf32>
    %mul3A_561 = arith.mulf %sub3A_560, %get3A_529 : vector<16xf32>
    %swap3A_562 = arith.constant 192 : index
    %swap3A_563 = tpu.vector_load %arg9[%swap3A_562] {strides = array<i32>} : memref<512xf32, #tpu.memory_space<vmem>>, vector<16xf32>,
    %swap3A_564 = vector.shape_cast %swap3A_563 : vector<16xf32> to vector<16xf32>
    %swap3A_565 = vector.shape_cast %mul3A_561 : vector<16xf32> to vector<16xf32>
    tpu.vector_store %arg9[%swap3A_562], %swap3A_565 {strides = array<i32>} : memref<512xf32, #tpu.memory_space<vmem>>, vector<16xf32>,
    %get3A_566 = arith.constant 208 : index
    %get3A_567 = tpu.vector_load %arg7[%get3A_566] {strides = array<i32>} : memref<512xf32, #tpu.memory_space<vmem>>, vector<16xf32>,
    %get3A_568 = vector.shape_cast %get3A_567 : vector<16xf32> to vector<16xf32>
    %get3A_569 = arith.constant 208 : index
    %get3A_570 = tpu.vector_load %arg8[%get3A_569] {strides = array<i32>} : memref<512xf32, #tpu.memory_space<vmem>>, vector<16xf32>,
    %get3A_571 = vector.shape_cast %get3A_570 : vector<16xf32> to vector<16xf32>
    %abs3A_572 = math.absf %get3A_568 : vector<16xf32>
    %neg3A_573 = arith.constant 0.000000e+00 : f32
    %neg3A_574 = vector.broadcast %neg3A_573 : f32 to vector<16xf32>
    %neg3A_575 = arith.subf %neg3A_574, %abs3A_572 : vector<16xf32>
    %exp3A_576 = math.exp %neg3A_575 : vector<16xf32>
    %mul3A_577 = arith.constant 0.0298087653 : f32
    %mul3A_578 = vector.broadcast %mul3A_577 : f32 to vector<16xf32>
    %mul3A_579 = arith.mulf %mul3A_578, %exp3A_576 : vector<16xf32>
    %add3A_580 = arith.constant -0.129957199 : f32
    %add3A_581 = vector.broadcast %add3A_580 : f32 to vector<16xf32>
    %add3A_582 = arith.addf %mul3A_579, %add3A_581 : vector<16xf32>
    %mul3A_583 = arith.mulf %add3A_582, %exp3A_576 : vector<16xf32>
    %add3A_584 = arith.constant 0.283823192 : f32
    %add3A_585 = vector.broadcast %add3A_584 : f32 to vector<16xf32>
    %add3A_586 = arith.addf %mul3A_583, %add3A_585 : vector<16xf32>
    %mul3A_587 = arith.mulf %add3A_586, %exp3A_576 : vector<16xf32>
    %add3A_588 = arith.constant -0.489699095 : f32
    %add3A_589 = vector.broadcast %add3A_588 : f32 to vector<16xf32>
    %add3A_590 = arith.addf %mul3A_587, %add3A_589 : vector<16xf32>
    %mul3A_591 = arith.mulf %add3A_590, %exp3A_576 : vector<16xf32>
    %add3A_592 = arith.constant 0.999166429 : f32
    %add3A_593 = vector.broadcast %add3A_592 : f32 to vector<16xf32>
    %add3A_594 = arith.addf %mul3A_591, %add3A_593 : vector<16xf32>
    %mul3A_595 = arith.mulf %add3A_594, %exp3A_576 : vector<16xf32>
    %add3A_596 = arith.constant 1.14470977E-5 : f32
    %add3A_597 = vector.broadcast %add3A_596 : f32 to vector<16xf32>
    %add3A_598 = arith.addf %mul3A_595, %add3A_597 : vector<16xf32>
    %min3A_599 = arith.constant 0.000000e+00 : f32
    %min3A_600 = vector.broadcast %min3A_599 : f32 to vector<16xf32>
    %min3A_601 = arith.minimumf %get3A_568, %min3A_600 : vector<16xf32>
    %sub3A_602 = arith.subf %add3A_598, %min3A_601 : vector<16xf32>
    %mul3A_603 = arith.mulf %sub3A_602, %get3A_571 : vector<16xf32>
    %swap3A_604 = arith.constant 208 : index
    %swap3A_605 = tpu.vector_load %arg9[%swap3A_604] {strides = array<i32>} : memref<512xf32, #tpu.memory_space<vmem>>, vector<16xf32>,
    %swap3A_606 = vector.shape_cast %swap3A_605 : vector<16xf32> to vector<16xf32>
    %swap3A_607 = vector.shape_cast %mul3A_603 : vector<16xf32> to vector<16xf32>
    tpu.vector_store %arg9[%swap3A_604], %swap3A_607 {strides = array<i32>} : memref<512xf32, #tpu.memory_space<vmem>>, vector<16xf32>,
    %get3A_608 = arith.constant 224 : index
    %get3A_609 = tpu.vector_load %arg7[%get3A_608] {strides = array<i32>} : memref<512xf32, #tpu.memory_space<vmem>>, vector<16xf32>,
    %get3A_610 = vector.shape_cast %get3A_609 : vector<16xf32> to vector<16xf32>
    %get3A_611 = arith.constant 224 : index
    %get3A_612 = tpu.vector_load %arg8[%get3A_611] {strides = array<i32>} : memref<512xf32, #tpu.memory_space<vmem>>, vector<16xf32>,
    %get3A_613 = vector.shape_cast %get3A_612 : vector<16xf32> to vector<16xf32>
    %abs3A_614 = math.absf %get3A_610 : vector<16xf32>
    %neg3A_615 = arith.constant 0.000000e+00 : f32
    %neg3A_616 = vector.broadcast %neg3A_615 : f32 to vector<16xf32>
    %neg3A_617 = arith.subf %neg3A_616, %abs3A_614 : vector<16xf32>
    %exp3A_618 = math.exp %neg3A_617 : vector<16xf32>
    %mul3A_619 = arith.constant 0.0298087653 : f32
    %mul3A_620 = vector.broadcast %mul3A_619 : f32 to vector<16xf32>
    %mul3A_621 = arith.mulf %mul3A_620, %exp3A_618 : vector<16xf32>
    %add3A_622 = arith.constant -0.129957199 : f32
    %add3A_623 = vector.broadcast %add3A_622 : f32 to vector<16xf32>
    %add3A_624 = arith.addf %mul3A_621, %add3A_623 : vector<16xf32>
    %mul3A_625 = arith.mulf %add3A_624, %exp3A_618 : vector<16xf32>
    %add3A_626 = arith.constant 0.283823192 : f32
    %add3A_627 = vector.broadcast %add3A_626 : f32 to vector<16xf32>
    %add3A_628 = arith.addf %mul3A_625, %add3A_627 : vector<16xf32>
    %mul3A_629 = arith.mulf %add3A_628, %exp3A_618 : vector<16xf32>
    %add3A_630 = arith.constant -0.489699095 : f32
    %add3A_631 = vector.broadcast %add3A_630 : f32 to vector<16xf32>
    %add3A_632 = arith.addf %mul3A_629, %add3A_631 : vector<16xf32>
    %mul3A_633 = arith.mulf %add3A_632, %exp3A_618 : vector<16xf32>
    %add3A_634 = arith.constant 0.999166429 : f32
    %add3A_635 = vector.broadcast %add3A_634 : f32 to vector<16xf32>
    %add3A_636 = arith.addf %mul3A_633, %add3A_635 : vector<16xf32>
    %mul3A_637 = arith.mulf %add3A_636, %exp3A_618 : vector<16xf32>
    %add3A_638 = arith.constant 1.14470977E-5 : f32
    %add3A_639 = vector.broadcast %add3A_638 : f32 to vector<16xf32>
    %add3A_640 = arith.addf %mul3A_637, %add3A_639 : vector<16xf32>
    %min3A_641 = arith.constant 0.000000e+00 : f32
    %min3A_642 = vector.broadcast %min3A_641 : f32 to vector<16xf32>
    %min3A_643 = arith.minimumf %get3A_610, %min3A_642 : vector<16xf32>
    %sub3A_644 = arith.subf %add3A_640, %min3A_643 : vector<16xf32>
    %mul3A_645 = arith.mulf %sub3A_644, %get3A_613 : vector<16xf32>
    %swap3A_646 = arith.constant 224 : index
    %swap3A_647 = tpu.vector_load %arg9[%swap3A_646] {strides = array<i32>} : memref<512xf32, #tpu.memory_space<vmem>>, vector<16xf32>,
    %swap3A_648 = vector.shape_cast %swap3A_647 : vector<16xf32> to vector<16xf32>
    %swap3A_649 = vector.shape_cast %mul3A_645 : vector<16xf32> to vector<16xf32>
    tpu.vector_store %arg9[%swap3A_646], %swap3A_649 {strides = array<i32>} : memref<512xf32, #tpu.memory_space<vmem>>, vector<16xf32>,
    %get3A_650 = arith.constant 240 : index
    %get3A_651 = tpu.vector_load %arg7[%get3A_650] {strides = array<i32>} : memref<512xf32, #tpu.memory_space<vmem>>, vector<16xf32>,
    %get3A_652 = vector.shape_cast %get3A_651 : vector<16xf32> to vector<16xf32>
    %get3A_653 = arith.constant 240 : index
    %get3A_654 = tpu.vector_load %arg8[%get3A_653] {strides = array<i32>} : memref<512xf32, #tpu.memory_space<vmem>>, vector<16xf32>,
    %get3A_655 = vector.shape_cast %get3A_654 : vector<16xf32> to vector<16xf32>
    %abs3A_656 = math.absf %get3A_652 : vector<16xf32>
    %neg3A_657 = arith.constant 0.000000e+00 : f32
    %neg3A_658 = vector.broadcast %neg3A_657 : f32 to vector<16xf32>
    %neg3A_659 = arith.subf %neg3A_658, %abs3A_656 : vector<16xf32>
    %exp3A_660 = math.exp %neg3A_659 : vector<16xf32>
    %mul3A_661 = arith.constant 0.0298087653 : f32
    %mul3A_662 = vector.broadcast %mul3A_661 : f32 to vector<16xf32>
    %mul3A_663 = arith.mulf %mul3A_662, %exp3A_660 : vector<16xf32>
    %add3A_664 = arith.constant -0.129957199 : f32
    %add3A_665 = vector.broadcast %add3A_664 : f32 to vector<16xf32>
    %add3A_666 = arith.addf %mul3A_663, %add3A_665 : vector<16xf32>
    %mul3A_667 = arith.mulf %add3A_666, %exp3A_660 : vector<16xf32>
    %add3A_668 = arith.constant 0.283823192 : f32
    %add3A_669 = vector.broadcast %add3A_668 : f32 to vector<16xf32>
    %add3A_670 = arith.addf %mul3A_667, %add3A_669 : vector<16xf32>
    %mul3A_671 = arith.mulf %add3A_670, %exp3A_660 : vector<16xf32>
    %add3A_672 = arith.constant -0.489699095 : f32
    %add3A_673 = vector.broadcast %add3A_672 : f32 to vector<16xf32>
    %add3A_674 = arith.addf %mul3A_671, %add3A_673 : vector<16xf32>
    %mul3A_675 = arith.mulf %add3A_674, %exp3A_660 : vector<16xf32>
    %add3A_676 = arith.constant 0.999166429 : f32
    %add3A_677 = vector.broadcast %add3A_676 : f32 to vector<16xf32>
    %add3A_678 = arith.addf %mul3A_675, %add3A_677 : vector<16xf32>
    %mul3A_679 = arith.mulf %add3A_678, %exp3A_660 : vector<16xf32>
    %add3A_680 = arith.constant 1.14470977E-5 : f32
    %add3A_681 = vector.broadcast %add3A_680 : f32 to vector<16xf32>
    %add3A_682 = arith.addf %mul3A_679, %add3A_681 : vector<16xf32>
    %min3A_683 = arith.constant 0.000000e+00 : f32
    %min3A_684 = vector.broadcast %min3A_683 : f32 to vector<16xf32>
    %min3A_685 = arith.minimumf %get3A_652, %min3A_684 : vector<16xf32>
    %sub3A_686 = arith.subf %add3A_682, %min3A_685 : vector<16xf32>
    %mul3A_687 = arith.mulf %sub3A_686, %get3A_655 : vector<16xf32>
    %swap3A_688 = arith.constant 240 : index
    %swap3A_689 = tpu.vector_load %arg9[%swap3A_688] {strides = array<i32>} : memref<512xf32, #tpu.memory_space<vmem>>, vector<16xf32>,
    %swap3A_690 = vector.shape_cast %swap3A_689 : vector<16xf32> to vector<16xf32>
    %swap3A_691 = vector.shape_cast %mul3A_687 : vector<16xf32> to vector<16xf32>
    tpu.vector_store %arg9[%swap3A_688], %swap3A_691 {strides = array<i32>} : memref<512xf32, #tpu.memory_space<vmem>>, vector<16xf32>,
    %add3A_692 = arith.constant 0 : i32
    %add3A_693 = arith.addi %mul3A_2, %add3A_692 : i32
    %dma_start3A_694 = arith.constant 0 : i32
    %dma_start3A_695 = tpu.memref_slice %arg9[%dma_start3A_694] : memref<512xf32, #tpu.memory_space<vmem>> -> memref<256xf32, #tpu.memory_space<vmem>>
    %dma_start3A_696 = tpu.memref_slice %arg5[%add3A_693] : memref<16384xf32, #tpu.memory_space<hbm>> -> memref<256xf32, #tpu.memory_space<hbm>>
    %dma_start3A_697 = tpu.memref_slice %arg5[%add3A_693] : memref<16384xf32, #tpu.memory_space<hbm>> -> memref<256xf32, #tpu.memory_space<hbm>>
    %dma_start3A_698 = arith.constant 0 : i32
    %dma_start3A_699 = tpu.memref_slice %arg9[%dma_start3A_698] : memref<512xf32, #tpu.memory_space<vmem>> -> memref<256xf32, #tpu.memory_space<vmem>>
    tpu.enqueue_dma source(%dma_start3A_699 : memref<256xf32, #tpu.memory_space<vmem>>) target(%dma_start3A_697 : memref<256xf32, #tpu.memory_space<hbm>>) target_semaphore(%arg14 : memref<!tpu.dma_semaphore, #tpu.memory_space<semaphore_mem>>)
    %dma_wait3A_700 = arith.constant 256 : i32
    %dma_wait3A_701 = tpu.memref_slice %arg7[%dma_wait3A_700] : memref<512xf32, #tpu.memory_space<vmem>> -> memref<256xf32, #tpu.memory_space<vmem>>
    %dma_wait3A_702 = arith.constant 256 : i32
    %dma_wait3A_703 = tpu.memref_slice %arg6[%dma_wait3A_702] : memref<512xi32, #tpu.memory_space<vmem>> -> memref<256xi32, #tpu.memory_space<vmem>>
    %dma_wait3A_704 = arith.constant 0 : i32
    %dma_wait3A_705 = tpu.memref_slice %arg2[%dma_wait3A_704] : memref<1000000xf32, #tpu.memory_space<hbm>> -> memref<1000000xf32, #tpu.memory_space<hbm>>
    tpu.wait_indirect_dma semaphore(%arg12 : memref<!tpu.dma_semaphore, #tpu.memory_space<semaphore_mem>>) src(%dma_wait3A_705 : memref<1000000xf32, #tpu.memory_space<hbm>>) dst(%dma_wait3A_701 : memref<256xf32, #tpu.memory_space<vmem>>)
    %get3A_706 = arith.constant 256 : index
    %get3A_707 = tpu.vector_load %arg7[%get3A_706] {strides = array<i32>} : memref<512xf32, #tpu.memory_space<vmem>>, vector<16xf32>,
    %get3A_708 = vector.shape_cast %get3A_707 : vector<16xf32> to vector<16xf32>
    %get3A_709 = arith.constant 256 : index
    %get3A_710 = tpu.vector_load %arg8[%get3A_709] {strides = array<i32>} : memref<512xf32, #tpu.memory_space<vmem>>, vector<16xf32>,
    %get3A_711 = vector.shape_cast %get3A_710 : vector<16xf32> to vector<16xf32>
    %abs3A_712 = math.absf %get3A_708 : vector<16xf32>
    %neg3A_713 = arith.constant 0.000000e+00 : f32
    %neg3A_714 = vector.broadcast %neg3A_713 : f32 to vector<16xf32>
    %neg3A_715 = arith.subf %neg3A_714, %abs3A_712 : vector<16xf32>
    %exp3A_716 = math.exp %neg3A_715 : vector<16xf32>
    %mul3A_717 = arith.constant 0.0298087653 : f32
    %mul3A_718 = vector.broadcast %mul3A_717 : f32 to vector<16xf32>
    %mul3A_719 = arith.mulf %mul3A_718, %exp3A_716 : vector<16xf32>
    %add3A_720 = arith.constant -0.129957199 : f32
    %add3A_721 = vector.broadcast %add3A_720 : f32 to vector<16xf32>
    %add3A_722 = arith.addf %mul3A_719, %add3A_721 : vector<16xf32>
    %mul3A_723 = arith.mulf %add3A_722, %exp3A_716 : vector<16xf32>
    %add3A_724 = arith.constant 0.283823192 : f32
    %add3A_725 = vector.broadcast %add3A_724 : f32 to vector<16xf32>
    %add3A_726 = arith.addf %mul3A_723, %add3A_725 : vector<16xf32>
    %mul3A_727 = arith.mulf %add3A_726, %exp3A_716 : vector<16xf32>
    %add3A_728 = arith.constant -0.489699095 : f32
    %add3A_729 = vector.broadcast %add3A_728 : f32 to vector<16xf32>
    %add3A_730 = arith.addf %mul3A_727, %add3A_729 : vector<16xf32>
    %mul3A_731 = arith.mulf %add3A_730, %exp3A_716 : vector<16xf32>
    %add3A_732 = arith.constant 0.999166429 : f32
    %add3A_733 = vector.broadcast %add3A_732 : f32 to vector<16xf32>
    %add3A_734 = arith.addf %mul3A_731, %add3A_733 : vector<16xf32>
    %mul3A_735 = arith.mulf %add3A_734, %exp3A_716 : vector<16xf32>
    %add3A_736 = arith.constant 1.14470977E-5 : f32
    %add3A_737 = vector.broadcast %add3A_736 : f32 to vector<16xf32>
    %add3A_738 = arith.addf %mul3A_735, %add3A_737 : vector<16xf32>
    %min3A_739 = arith.constant 0.000000e+00 : f32
    %min3A_740 = vector.broadcast %min3A_739 : f32 to vector<16xf32>
    %min3A_741 = arith.minimumf %get3A_708, %min3A_740 : vector<16xf32>
    %sub3A_742 = arith.subf %add3A_738, %min3A_741 : vector<16xf32>
    %mul3A_743 = arith.mulf %sub3A_742, %get3A_711 : vector<16xf32>
    %swap3A_744 = arith.constant 256 : index
    %swap3A_745 = tpu.vector_load %arg9[%swap3A_744] {strides = array<i32>} : memref<512xf32, #tpu.memory_space<vmem>>, vector<16xf32>,
    %swap3A_746 = vector.shape_cast %swap3A_745 : vector<16xf32> to vector<16xf32>
    %swap3A_747 = vector.shape_cast %mul3A_743 : vector<16xf32> to vector<16xf32>
    tpu.vector_store %arg9[%swap3A_744], %swap3A_747 {strides = array<i32>} : memref<512xf32, #tpu.memory_space<vmem>>, vector<16xf32>,
    %get3A_748 = arith.constant 272 : index
    %get3A_749 = tpu.vector_load %arg7[%get3A_748] {strides = array<i32>} : memref<512xf32, #tpu.memory_space<vmem>>, vector<16xf32>,
    %get3A_750 = vector.shape_cast %get3A_749 : vector<16xf32> to vector<16xf32>
    %get3A_751 = arith.constant 272 : index
    %get3A_752 = tpu.vector_load %arg8[%get3A_751] {strides = array<i32>} : memref<512xf32, #tpu.memory_space<vmem>>, vector<16xf32>,
    %get3A_753 = vector.shape_cast %get3A_752 : vector<16xf32> to vector<16xf32>
    %abs3A_754 = math.absf %get3A_750 : vector<16xf32>
    %neg3A_755 = arith.constant 0.000000e+00 : f32
    %neg3A_756 = vector.broadcast %neg3A_755 : f32 to vector<16xf32>
    %neg3A_757 = arith.subf %neg3A_756, %abs3A_754 : vector<16xf32>
    %exp3A_758 = math.exp %neg3A_757 : vector<16xf32>
    %mul3A_759 = arith.constant 0.0298087653 : f32
    %mul3A_760 = vector.broadcast %mul3A_759 : f32 to vector<16xf32>
    %mul3A_761 = arith.mulf %mul3A_760, %exp3A_758 : vector<16xf32>
    %add3A_762 = arith.constant -0.129957199 : f32
    %add3A_763 = vector.broadcast %add3A_762 : f32 to vector<16xf32>
    %add3A_764 = arith.addf %mul3A_761, %add3A_763 : vector<16xf32>
    %mul3A_765 = arith.mulf %add3A_764, %exp3A_758 : vector<16xf32>
    %add3A_766 = arith.constant 0.283823192 : f32
    %add3A_767 = vector.broadcast %add3A_766 : f32 to vector<16xf32>
    %add3A_768 = arith.addf %mul3A_765, %add3A_767 : vector<16xf32>
    %mul3A_769 = arith.mulf %add3A_768, %exp3A_758 : vector<16xf32>
    %add3A_770 = arith.constant -0.489699095 : f32
    %add3A_771 = vector.broadcast %add3A_770 : f32 to vector<16xf32>
    %add3A_772 = arith.addf %mul3A_769, %add3A_771 : vector<16xf32>
    %mul3A_773 = arith.mulf %add3A_772, %exp3A_758 : vector<16xf32>
    %add3A_774 = arith.constant 0.999166429 : f32
    %add3A_775 = vector.broadcast %add3A_774 : f32 to vector<16xf32>
    %add3A_776 = arith.addf %mul3A_773, %add3A_775 : vector<16xf32>
    %mul3A_777 = arith.mulf %add3A_776, %exp3A_758 : vector<16xf32>
    %add3A_778 = arith.constant 1.14470977E-5 : f32
    %add3A_779 = vector.broadcast %add3A_778 : f32 to vector<16xf32>
    %add3A_780 = arith.addf %mul3A_777, %add3A_779 : vector<16xf32>
    %min3A_781 = arith.constant 0.000000e+00 : f32
    %min3A_782 = vector.broadcast %min3A_781 : f32 to vector<16xf32>
    %min3A_783 = arith.minimumf %get3A_750, %min3A_782 : vector<16xf32>
    %sub3A_784 = arith.subf %add3A_780, %min3A_783 : vector<16xf32>
    %mul3A_785 = arith.mulf %sub3A_784, %get3A_753 : vector<16xf32>
    %swap3A_786 = arith.constant 272 : index
    %swap3A_787 = tpu.vector_load %arg9[%swap3A_786] {strides = array<i32>} : memref<512xf32, #tpu.memory_space<vmem>>, vector<16xf32>,
    %swap3A_788 = vector.shape_cast %swap3A_787 : vector<16xf32> to vector<16xf32>
    %swap3A_789 = vector.shape_cast %mul3A_785 : vector<16xf32> to vector<16xf32>
    tpu.vector_store %arg9[%swap3A_786], %swap3A_789 {strides = array<i32>} : memref<512xf32, #tpu.memory_space<vmem>>, vector<16xf32>,
    %get3A_790 = arith.constant 288 : index
    %get3A_791 = tpu.vector_load %arg7[%get3A_790] {strides = array<i32>} : memref<512xf32, #tpu.memory_space<vmem>>, vector<16xf32>,
    %get3A_792 = vector.shape_cast %get3A_791 : vector<16xf32> to vector<16xf32>
    %get3A_793 = arith.constant 288 : index
    %get3A_794 = tpu.vector_load %arg8[%get3A_793] {strides = array<i32>} : memref<512xf32, #tpu.memory_space<vmem>>, vector<16xf32>,
    %get3A_795 = vector.shape_cast %get3A_794 : vector<16xf32> to vector<16xf32>
    %abs3A_796 = math.absf %get3A_792 : vector<16xf32>
    %neg3A_797 = arith.constant 0.000000e+00 : f32
    %neg3A_798 = vector.broadcast %neg3A_797 : f32 to vector<16xf32>
    %neg3A_799 = arith.subf %neg3A_798, %abs3A_796 : vector<16xf32>
    %exp3A_800 = math.exp %neg3A_799 : vector<16xf32>
    %mul3A_801 = arith.constant 0.0298087653 : f32
    %mul3A_802 = vector.broadcast %mul3A_801 : f32 to vector<16xf32>
    %mul3A_803 = arith.mulf %mul3A_802, %exp3A_800 : vector<16xf32>
    %add3A_804 = arith.constant -0.129957199 : f32
    %add3A_805 = vector.broadcast %add3A_804 : f32 to vector<16xf32>
    %add3A_806 = arith.addf %mul3A_803, %add3A_805 : vector<16xf32>
    %mul3A_807 = arith.mulf %add3A_806, %exp3A_800 : vector<16xf32>
    %add3A_808 = arith.constant 0.283823192 : f32
    %add3A_809 = vector.broadcast %add3A_808 : f32 to vector<16xf32>
    %add3A_810 = arith.addf %mul3A_807, %add3A_809 : vector<16xf32>
    %mul3A_811 = arith.mulf %add3A_810, %exp3A_800 : vector<16xf32>
    %add3A_812 = arith.constant -0.489699095 : f32
    %add3A_813 = vector.broadcast %add3A_812 : f32 to vector<16xf32>
    %add3A_814 = arith.addf %mul3A_811, %add3A_813 : vector<16xf32>
    %mul3A_815 = arith.mulf %add3A_814, %exp3A_800 : vector<16xf32>
    %add3A_816 = arith.constant 0.999166429 : f32
    %add3A_817 = vector.broadcast %add3A_816 : f32 to vector<16xf32>
    %add3A_818 = arith.addf %mul3A_815, %add3A_817 : vector<16xf32>
    %mul3A_819 = arith.mulf %add3A_818, %exp3A_800 : vector<16xf32>
    %add3A_820 = arith.constant 1.14470977E-5 : f32
    %add3A_821 = vector.broadcast %add3A_820 : f32 to vector<16xf32>
    %add3A_822 = arith.addf %mul3A_819, %add3A_821 : vector<16xf32>
    %min3A_823 = arith.constant 0.000000e+00 : f32
    %min3A_824 = vector.broadcast %min3A_823 : f32 to vector<16xf32>
    %min3A_825 = arith.minimumf %get3A_792, %min3A_824 : vector<16xf32>
    %sub3A_826 = arith.subf %add3A_822, %min3A_825 : vector<16xf32>
    %mul3A_827 = arith.mulf %sub3A_826, %get3A_795 : vector<16xf32>
    %swap3A_828 = arith.constant 288 : index
    %swap3A_829 = tpu.vector_load %arg9[%swap3A_828] {strides = array<i32>} : memref<512xf32, #tpu.memory_space<vmem>>, vector<16xf32>,
    %swap3A_830 = vector.shape_cast %swap3A_829 : vector<16xf32> to vector<16xf32>
    %swap3A_831 = vector.shape_cast %mul3A_827 : vector<16xf32> to vector<16xf32>
    tpu.vector_store %arg9[%swap3A_828], %swap3A_831 {strides = array<i32>} : memref<512xf32, #tpu.memory_space<vmem>>, vector<16xf32>,
    %get3A_832 = arith.constant 304 : index
    %get3A_833 = tpu.vector_load %arg7[%get3A_832] {strides = array<i32>} : memref<512xf32, #tpu.memory_space<vmem>>, vector<16xf32>,
    %get3A_834 = vector.shape_cast %get3A_833 : vector<16xf32> to vector<16xf32>
    %get3A_835 = arith.constant 304 : index
    %get3A_836 = tpu.vector_load %arg8[%get3A_835] {strides = array<i32>} : memref<512xf32, #tpu.memory_space<vmem>>, vector<16xf32>,
    %get3A_837 = vector.shape_cast %get3A_836 : vector<16xf32> to vector<16xf32>
    %abs3A_838 = math.absf %get3A_834 : vector<16xf32>
    %neg3A_839 = arith.constant 0.000000e+00 : f32
    %neg3A_840 = vector.broadcast %neg3A_839 : f32 to vector<16xf32>
    %neg3A_841 = arith.subf %neg3A_840, %abs3A_838 : vector<16xf32>
    %exp3A_842 = math.exp %neg3A_841 : vector<16xf32>
    %mul3A_843 = arith.constant 0.0298087653 : f32
    %mul3A_844 = vector.broadcast %mul3A_843 : f32 to vector<16xf32>
    %mul3A_845 = arith.mulf %mul3A_844, %exp3A_842 : vector<16xf32>
    %add3A_846 = arith.constant -0.129957199 : f32
    %add3A_847 = vector.broadcast %add3A_846 : f32 to vector<16xf32>
    %add3A_848 = arith.addf %mul3A_845, %add3A_847 : vector<16xf32>
    %mul3A_849 = arith.mulf %add3A_848, %exp3A_842 : vector<16xf32>
    %add3A_850 = arith.constant 0.283823192 : f32
    %add3A_851 = vector.broadcast %add3A_850 : f32 to vector<16xf32>
    %add3A_852 = arith.addf %mul3A_849, %add3A_851 : vector<16xf32>
    %mul3A_853 = arith.mulf %add3A_852, %exp3A_842 : vector<16xf32>
    %add3A_854 = arith.constant -0.489699095 : f32
    %add3A_855 = vector.broadcast %add3A_854 : f32 to vector<16xf32>
    %add3A_856 = arith.addf %mul3A_853, %add3A_855 : vector<16xf32>
    %mul3A_857 = arith.mulf %add3A_856, %exp3A_842 : vector<16xf32>
    %add3A_858 = arith.constant 0.999166429 : f32
    %add3A_859 = vector.broadcast %add3A_858 : f32 to vector<16xf32>
    %add3A_860 = arith.addf %mul3A_857, %add3A_859 : vector<16xf32>
    %mul3A_861 = arith.mulf %add3A_860, %exp3A_842 : vector<16xf32>
    %add3A_862 = arith.constant 1.14470977E-5 : f32
    %add3A_863 = vector.broadcast %add3A_862 : f32 to vector<16xf32>
    %add3A_864 = arith.addf %mul3A_861, %add3A_863 : vector<16xf32>
    %min3A_865 = arith.constant 0.000000e+00 : f32
    %min3A_866 = vector.broadcast %min3A_865 : f32 to vector<16xf32>
    %min3A_867 = arith.minimumf %get3A_834, %min3A_866 : vector<16xf32>
    %sub3A_868 = arith.subf %add3A_864, %min3A_867 : vector<16xf32>
    %mul3A_869 = arith.mulf %sub3A_868, %get3A_837 : vector<16xf32>
    %swap3A_870 = arith.constant 304 : index
    %swap3A_871 = tpu.vector_load %arg9[%swap3A_870] {strides = array<i32>} : memref<512xf32, #tpu.memory_space<vmem>>, vector<16xf32>,
    %swap3A_872 = vector.shape_cast %swap3A_871 : vector<16xf32> to vector<16xf32>
    %swap3A_873 = vector.shape_cast %mul3A_869 : vector<16xf32> to vector<16xf32>
    tpu.vector_store %arg9[%swap3A_870], %swap3A_873 {strides = array<i32>} : memref<512xf32, #tpu.memory_space<vmem>>, vector<16xf32>,
    %get3A_874 = arith.constant 320 : index
    %get3A_875 = tpu.vector_load %arg7[%get3A_874] {strides = array<i32>} : memref<512xf32, #tpu.memory_space<vmem>>, vector<16xf32>,
    %get3A_876 = vector.shape_cast %get3A_875 : vector<16xf32> to vector<16xf32>
    %get3A_877 = arith.constant 320 : index
    %get3A_878 = tpu.vector_load %arg8[%get3A_877] {strides = array<i32>} : memref<512xf32, #tpu.memory_space<vmem>>, vector<16xf32>,
    %get3A_879 = vector.shape_cast %get3A_878 : vector<16xf32> to vector<16xf32>
    %abs3A_880 = math.absf %get3A_876 : vector<16xf32>
    %neg3A_881 = arith.constant 0.000000e+00 : f32
    %neg3A_882 = vector.broadcast %neg3A_881 : f32 to vector<16xf32>
    %neg3A_883 = arith.subf %neg3A_882, %abs3A_880 : vector<16xf32>
    %exp3A_884 = math.exp %neg3A_883 : vector<16xf32>
    %mul3A_885 = arith.constant 0.0298087653 : f32
    %mul3A_886 = vector.broadcast %mul3A_885 : f32 to vector<16xf32>
    %mul3A_887 = arith.mulf %mul3A_886, %exp3A_884 : vector<16xf32>
    %add3A_888 = arith.constant -0.129957199 : f32
    %add3A_889 = vector.broadcast %add3A_888 : f32 to vector<16xf32>
    %add3A_890 = arith.addf %mul3A_887, %add3A_889 : vector<16xf32>
    %mul3A_891 = arith.mulf %add3A_890, %exp3A_884 : vector<16xf32>
    %add3A_892 = arith.constant 0.283823192 : f32
    %add3A_893 = vector.broadcast %add3A_892 : f32 to vector<16xf32>
    %add3A_894 = arith.addf %mul3A_891, %add3A_893 : vector<16xf32>
    %mul3A_895 = arith.mulf %add3A_894, %exp3A_884 : vector<16xf32>
    %add3A_896 = arith.constant -0.489699095 : f32
    %add3A_897 = vector.broadcast %add3A_896 : f32 to vector<16xf32>
    %add3A_898 = arith.addf %mul3A_895, %add3A_897 : vector<16xf32>
    %mul3A_899 = arith.mulf %add3A_898, %exp3A_884 : vector<16xf32>
    %add3A_900 = arith.constant 0.999166429 : f32
    %add3A_901 = vector.broadcast %add3A_900 : f32 to vector<16xf32>
    %add3A_902 = arith.addf %mul3A_899, %add3A_901 : vector<16xf32>
    %mul3A_903 = arith.mulf %add3A_902, %exp3A_884 : vector<16xf32>
    %add3A_904 = arith.constant 1.14470977E-5 : f32
    %add3A_905 = vector.broadcast %add3A_904 : f32 to vector<16xf32>
    %add3A_906 = arith.addf %mul3A_903, %add3A_905 : vector<16xf32>
    %min3A_907 = arith.constant 0.000000e+00 : f32
    %min3A_908 = vector.broadcast %min3A_907 : f32 to vector<16xf32>
    %min3A_909 = arith.minimumf %get3A_876, %min3A_908 : vector<16xf32>
    %sub3A_910 = arith.subf %add3A_906, %min3A_909 : vector<16xf32>
    %mul3A_911 = arith.mulf %sub3A_910, %get3A_879 : vector<16xf32>
    %swap3A_912 = arith.constant 320 : index
    %swap3A_913 = tpu.vector_load %arg9[%swap3A_912] {strides = array<i32>} : memref<512xf32, #tpu.memory_space<vmem>>, vector<16xf32>,
    %swap3A_914 = vector.shape_cast %swap3A_913 : vector<16xf32> to vector<16xf32>
    %swap3A_915 = vector.shape_cast %mul3A_911 : vector<16xf32> to vector<16xf32>
    tpu.vector_store %arg9[%swap3A_912], %swap3A_915 {strides = array<i32>} : memref<512xf32, #tpu.memory_space<vmem>>, vector<16xf32>,
    %get3A_916 = arith.constant 336 : index
    %get3A_917 = tpu.vector_load %arg7[%get3A_916] {strides = array<i32>} : memref<512xf32, #tpu.memory_space<vmem>>, vector<16xf32>,
    %get3A_918 = vector.shape_cast %get3A_917 : vector<16xf32> to vector<16xf32>
    %get3A_919 = arith.constant 336 : index
    %get3A_920 = tpu.vector_load %arg8[%get3A_919] {strides = array<i32>} : memref<512xf32, #tpu.memory_space<vmem>>, vector<16xf32>,
    %get3A_921 = vector.shape_cast %get3A_920 : vector<16xf32> to vector<16xf32>
    %abs3A_922 = math.absf %get3A_918 : vector<16xf32>
    %neg3A_923 = arith.constant 0.000000e+00 : f32
    %neg3A_924 = vector.broadcast %neg3A_923 : f32 to vector<16xf32>
    %neg3A_925 = arith.subf %neg3A_924, %abs3A_922 : vector<16xf32>
    %exp3A_926 = math.exp %neg3A_925 : vector<16xf32>
    %mul3A_927 = arith.constant 0.0298087653 : f32
    %mul3A_928 = vector.broadcast %mul3A_927 : f32 to vector<16xf32>
    %mul3A_929 = arith.mulf %mul3A_928, %exp3A_926 : vector<16xf32>
    %add3A_930 = arith.constant -0.129957199 : f32
    %add3A_931 = vector.broadcast %add3A_930 : f32 to vector<16xf32>
    %add3A_932 = arith.addf %mul3A_929, %add3A_931 : vector<16xf32>
    %mul3A_933 = arith.mulf %add3A_932, %exp3A_926 : vector<16xf32>
    %add3A_934 = arith.constant 0.283823192 : f32
    %add3A_935 = vector.broadcast %add3A_934 : f32 to vector<16xf32>
    %add3A_936 = arith.addf %mul3A_933, %add3A_935 : vector<16xf32>
    %mul3A_937 = arith.mulf %add3A_936, %exp3A_926 : vector<16xf32>
    %add3A_938 = arith.constant -0.489699095 : f32
    %add3A_939 = vector.broadcast %add3A_938 : f32 to vector<16xf32>
    %add3A_940 = arith.addf %mul3A_937, %add3A_939 : vector<16xf32>
    %mul3A_941 = arith.mulf %add3A_940, %exp3A_926 : vector<16xf32>
    %add3A_942 = arith.constant 0.999166429 : f32
    %add3A_943 = vector.broadcast %add3A_942 : f32 to vector<16xf32>
    %add3A_944 = arith.addf %mul3A_941, %add3A_943 : vector<16xf32>
    %mul3A_945 = arith.mulf %add3A_944, %exp3A_926 : vector<16xf32>
    %add3A_946 = arith.constant 1.14470977E-5 : f32
    %add3A_947 = vector.broadcast %add3A_946 : f32 to vector<16xf32>
    %add3A_948 = arith.addf %mul3A_945, %add3A_947 : vector<16xf32>
    %min3A_949 = arith.constant 0.000000e+00 : f32
    %min3A_950 = vector.broadcast %min3A_949 : f32 to vector<16xf32>
    %min3A_951 = arith.minimumf %get3A_918, %min3A_950 : vector<16xf32>
    %sub3A_952 = arith.subf %add3A_948, %min3A_951 : vector<16xf32>
    %mul3A_953 = arith.mulf %sub3A_952, %get3A_921 : vector<16xf32>
    %swap3A_954 = arith.constant 336 : index
    %swap3A_955 = tpu.vector_load %arg9[%swap3A_954] {strides = array<i32>} : memref<512xf32, #tpu.memory_space<vmem>>, vector<16xf32>,
    %swap3A_956 = vector.shape_cast %swap3A_955 : vector<16xf32> to vector<16xf32>
    %swap3A_957 = vector.shape_cast %mul3A_953 : vector<16xf32> to vector<16xf32>
    tpu.vector_store %arg9[%swap3A_954], %swap3A_957 {strides = array<i32>} : memref<512xf32, #tpu.memory_space<vmem>>, vector<16xf32>,
    %get3A_958 = arith.constant 352 : index
    %get3A_959 = tpu.vector_load %arg7[%get3A_958] {strides = array<i32>} : memref<512xf32, #tpu.memory_space<vmem>>, vector<16xf32>,
    %get3A_960 = vector.shape_cast %get3A_959 : vector<16xf32> to vector<16xf32>
    %get3A_961 = arith.constant 352 : index
    %get3A_962 = tpu.vector_load %arg8[%get3A_961] {strides = array<i32>} : memref<512xf32, #tpu.memory_space<vmem>>, vector<16xf32>,
    %get3A_963 = vector.shape_cast %get3A_962 : vector<16xf32> to vector<16xf32>
    %abs3A_964 = math.absf %get3A_960 : vector<16xf32>
    %neg3A_965 = arith.constant 0.000000e+00 : f32
    %neg3A_966 = vector.broadcast %neg3A_965 : f32 to vector<16xf32>
    %neg3A_967 = arith.subf %neg3A_966, %abs3A_964 : vector<16xf32>
    %exp3A_968 = math.exp %neg3A_967 : vector<16xf32>
    %mul3A_969 = arith.constant 0.0298087653 : f32
    %mul3A_970 = vector.broadcast %mul3A_969 : f32 to vector<16xf32>
    %mul3A_971 = arith.mulf %mul3A_970, %exp3A_968 : vector<16xf32>
    %add3A_972 = arith.constant -0.129957199 : f32
    %add3A_973 = vector.broadcast %add3A_972 : f32 to vector<16xf32>
    %add3A_974 = arith.addf %mul3A_971, %add3A_973 : vector<16xf32>
    %mul3A_975 = arith.mulf %add3A_974, %exp3A_968 : vector<16xf32>
    %add3A_976 = arith.constant 0.283823192 : f32
    %add3A_977 = vector.broadcast %add3A_976 : f32 to vector<16xf32>
    %add3A_978 = arith.addf %mul3A_975, %add3A_977 : vector<16xf32>
    %mul3A_979 = arith.mulf %add3A_978, %exp3A_968 : vector<16xf32>
    %add3A_980 = arith.constant -0.489699095 : f32
    %add3A_981 = vector.broadcast %add3A_980 : f32 to vector<16xf32>
    %add3A_982 = arith.addf %mul3A_979, %add3A_981 : vector<16xf32>
    %mul3A_983 = arith.mulf %add3A_982, %exp3A_968 : vector<16xf32>
    %add3A_984 = arith.constant 0.999166429 : f32
    %add3A_985 = vector.broadcast %add3A_984 : f32 to vector<16xf32>
    %add3A_986 = arith.addf %mul3A_983, %add3A_985 : vector<16xf32>
    %mul3A_987 = arith.mulf %add3A_986, %exp3A_968 : vector<16xf32>
    %add3A_988 = arith.constant 1.14470977E-5 : f32
    %add3A_989 = vector.broadcast %add3A_988 : f32 to vector<16xf32>
    %add3A_990 = arith.addf %mul3A_987, %add3A_989 : vector<16xf32>
    %min3A_991 = arith.constant 0.000000e+00 : f32
    %min3A_992 = vector.broadcast %min3A_991 : f32 to vector<16xf32>
    %min3A_993 = arith.minimumf %get3A_960, %min3A_992 : vector<16xf32>
    %sub3A_994 = arith.subf %add3A_990, %min3A_993 : vector<16xf32>
    %mul3A_995 = arith.mulf %sub3A_994, %get3A_963 : vector<16xf32>
    %swap3A_996 = arith.constant 352 : index
    %swap3A_997 = tpu.vector_load %arg9[%swap3A_996] {strides = array<i32>} : memref<512xf32, #tpu.memory_space<vmem>>, vector<16xf32>,
    %swap3A_998 = vector.shape_cast %swap3A_997 : vector<16xf32> to vector<16xf32>
    %swap3A_999 = vector.shape_cast %mul3A_995 : vector<16xf32> to vector<16xf32>
    tpu.vector_store %arg9[%swap3A_996], %swap3A_999 {strides = array<i32>} : memref<512xf32, #tpu.memory_space<vmem>>, vector<16xf32>,
    %get3A_1000 = arith.constant 368 : index
    %get3A_1001 = tpu.vector_load %arg7[%get3A_1000] {strides = array<i32>} : memref<512xf32, #tpu.memory_space<vmem>>, vector<16xf32>,
    %get3A_1002 = vector.shape_cast %get3A_1001 : vector<16xf32> to vector<16xf32>
    %get3A_1003 = arith.constant 368 : index
    %get3A_1004 = tpu.vector_load %arg8[%get3A_1003] {strides = array<i32>} : memref<512xf32, #tpu.memory_space<vmem>>, vector<16xf32>,
    %get3A_1005 = vector.shape_cast %get3A_1004 : vector<16xf32> to vector<16xf32>
    %abs3A_1006 = math.absf %get3A_1002 : vector<16xf32>
    %neg3A_1007 = arith.constant 0.000000e+00 : f32
    %neg3A_1008 = vector.broadcast %neg3A_1007 : f32 to vector<16xf32>
    %neg3A_1009 = arith.subf %neg3A_1008, %abs3A_1006 : vector<16xf32>
    %exp3A_1010 = math.exp %neg3A_1009 : vector<16xf32>
    %mul3A_1011 = arith.constant 0.0298087653 : f32
    %mul3A_1012 = vector.broadcast %mul3A_1011 : f32 to vector<16xf32>
    %mul3A_1013 = arith.mulf %mul3A_1012, %exp3A_1010 : vector<16xf32>
    %add3A_1014 = arith.constant -0.129957199 : f32
    %add3A_1015 = vector.broadcast %add3A_1014 : f32 to vector<16xf32>
    %add3A_1016 = arith.addf %mul3A_1013, %add3A_1015 : vector<16xf32>
    %mul3A_1017 = arith.mulf %add3A_1016, %exp3A_1010 : vector<16xf32>
    %add3A_1018 = arith.constant 0.283823192 : f32
    %add3A_1019 = vector.broadcast %add3A_1018 : f32 to vector<16xf32>
    %add3A_1020 = arith.addf %mul3A_1017, %add3A_1019 : vector<16xf32>
    %mul3A_1021 = arith.mulf %add3A_1020, %exp3A_1010 : vector<16xf32>
    %add3A_1022 = arith.constant -0.489699095 : f32
    %add3A_1023 = vector.broadcast %add3A_1022 : f32 to vector<16xf32>
    %add3A_1024 = arith.addf %mul3A_1021, %add3A_1023 : vector<16xf32>
    %mul3A_1025 = arith.mulf %add3A_1024, %exp3A_1010 : vector<16xf32>
    %add3A_1026 = arith.constant 0.999166429 : f32
    %add3A_1027 = vector.broadcast %add3A_1026 : f32 to vector<16xf32>
    %add3A_1028 = arith.addf %mul3A_1025, %add3A_1027 : vector<16xf32>
    %mul3A_1029 = arith.mulf %add3A_1028, %exp3A_1010 : vector<16xf32>
    %add3A_1030 = arith.constant 1.14470977E-5 : f32
    %add3A_1031 = vector.broadcast %add3A_1030 : f32 to vector<16xf32>
    %add3A_1032 = arith.addf %mul3A_1029, %add3A_1031 : vector<16xf32>
    %min3A_1033 = arith.constant 0.000000e+00 : f32
    %min3A_1034 = vector.broadcast %min3A_1033 : f32 to vector<16xf32>
    %min3A_1035 = arith.minimumf %get3A_1002, %min3A_1034 : vector<16xf32>
    %sub3A_1036 = arith.subf %add3A_1032, %min3A_1035 : vector<16xf32>
    %mul3A_1037 = arith.mulf %sub3A_1036, %get3A_1005 : vector<16xf32>
    %swap3A_1038 = arith.constant 368 : index
    %swap3A_1039 = tpu.vector_load %arg9[%swap3A_1038] {strides = array<i32>} : memref<512xf32, #tpu.memory_space<vmem>>, vector<16xf32>,
    %swap3A_1040 = vector.shape_cast %swap3A_1039 : vector<16xf32> to vector<16xf32>
    %swap3A_1041 = vector.shape_cast %mul3A_1037 : vector<16xf32> to vector<16xf32>
    tpu.vector_store %arg9[%swap3A_1038], %swap3A_1041 {strides = array<i32>} : memref<512xf32, #tpu.memory_space<vmem>>, vector<16xf32>,
    %get3A_1042 = arith.constant 384 : index
    %get3A_1043 = tpu.vector_load %arg7[%get3A_1042] {strides = array<i32>} : memref<512xf32, #tpu.memory_space<vmem>>, vector<16xf32>,
    %get3A_1044 = vector.shape_cast %get3A_1043 : vector<16xf32> to vector<16xf32>
    %get3A_1045 = arith.constant 384 : index
    %get3A_1046 = tpu.vector_load %arg8[%get3A_1045] {strides = array<i32>} : memref<512xf32, #tpu.memory_space<vmem>>, vector<16xf32>,
    %get3A_1047 = vector.shape_cast %get3A_1046 : vector<16xf32> to vector<16xf32>
    %abs3A_1048 = math.absf %get3A_1044 : vector<16xf32>
    %neg3A_1049 = arith.constant 0.000000e+00 : f32
    %neg3A_1050 = vector.broadcast %neg3A_1049 : f32 to vector<16xf32>
    %neg3A_1051 = arith.subf %neg3A_1050, %abs3A_1048 : vector<16xf32>
    %exp3A_1052 = math.exp %neg3A_1051 : vector<16xf32>
    %mul3A_1053 = arith.constant 0.0298087653 : f32
    %mul3A_1054 = vector.broadcast %mul3A_1053 : f32 to vector<16xf32>
    %mul3A_1055 = arith.mulf %mul3A_1054, %exp3A_1052 : vector<16xf32>
    %add3A_1056 = arith.constant -0.129957199 : f32
    %add3A_1057 = vector.broadcast %add3A_1056 : f32 to vector<16xf32>
    %add3A_1058 = arith.addf %mul3A_1055, %add3A_1057 : vector<16xf32>
    %mul3A_1059 = arith.mulf %add3A_1058, %exp3A_1052 : vector<16xf32>
    %add3A_1060 = arith.constant 0.283823192 : f32
    %add3A_1061 = vector.broadcast %add3A_1060 : f32 to vector<16xf32>
    %add3A_1062 = arith.addf %mul3A_1059, %add3A_1061 : vector<16xf32>
    %mul3A_1063 = arith.mulf %add3A_1062, %exp3A_1052 : vector<16xf32>
    %add3A_1064 = arith.constant -0.489699095 : f32
    %add3A_1065 = vector.broadcast %add3A_1064 : f32 to vector<16xf32>
    %add3A_1066 = arith.addf %mul3A_1063, %add3A_1065 : vector<16xf32>
    %mul3A_1067 = arith.mulf %add3A_1066, %exp3A_1052 : vector<16xf32>
    %add3A_1068 = arith.constant 0.999166429 : f32
    %add3A_1069 = vector.broadcast %add3A_1068 : f32 to vector<16xf32>
    %add3A_1070 = arith.addf %mul3A_1067, %add3A_1069 : vector<16xf32>
    %mul3A_1071 = arith.mulf %add3A_1070, %exp3A_1052 : vector<16xf32>
    %add3A_1072 = arith.constant 1.14470977E-5 : f32
    %add3A_1073 = vector.broadcast %add3A_1072 : f32 to vector<16xf32>
    %add3A_1074 = arith.addf %mul3A_1071, %add3A_1073 : vector<16xf32>
    %min3A_1075 = arith.constant 0.000000e+00 : f32
    %min3A_1076 = vector.broadcast %min3A_1075 : f32 to vector<16xf32>
    %min3A_1077 = arith.minimumf %get3A_1044, %min3A_1076 : vector<16xf32>
    %sub3A_1078 = arith.subf %add3A_1074, %min3A_1077 : vector<16xf32>
    %mul3A_1079 = arith.mulf %sub3A_1078, %get3A_1047 : vector<16xf32>
    %swap3A_1080 = arith.constant 384 : index
    %swap3A_1081 = tpu.vector_load %arg9[%swap3A_1080] {strides = array<i32>} : memref<512xf32, #tpu.memory_space<vmem>>, vector<16xf32>,
    %swap3A_1082 = vector.shape_cast %swap3A_1081 : vector<16xf32> to vector<16xf32>
    %swap3A_1083 = vector.shape_cast %mul3A_1079 : vector<16xf32> to vector<16xf32>
    tpu.vector_store %arg9[%swap3A_1080], %swap3A_1083 {strides = array<i32>} : memref<512xf32, #tpu.memory_space<vmem>>, vector<16xf32>,
    %get3A_1084 = arith.constant 400 : index
    %get3A_1085 = tpu.vector_load %arg7[%get3A_1084] {strides = array<i32>} : memref<512xf32, #tpu.memory_space<vmem>>, vector<16xf32>,
    %get3A_1086 = vector.shape_cast %get3A_1085 : vector<16xf32> to vector<16xf32>
    %get3A_1087 = arith.constant 400 : index
    %get3A_1088 = tpu.vector_load %arg8[%get3A_1087] {strides = array<i32>} : memref<512xf32, #tpu.memory_space<vmem>>, vector<16xf32>,
    %get3A_1089 = vector.shape_cast %get3A_1088 : vector<16xf32> to vector<16xf32>
    %abs3A_1090 = math.absf %get3A_1086 : vector<16xf32>
    %neg3A_1091 = arith.constant 0.000000e+00 : f32
    %neg3A_1092 = vector.broadcast %neg3A_1091 : f32 to vector<16xf32>
    %neg3A_1093 = arith.subf %neg3A_1092, %abs3A_1090 : vector<16xf32>
    %exp3A_1094 = math.exp %neg3A_1093 : vector<16xf32>
    %mul3A_1095 = arith.constant 0.0298087653 : f32
    %mul3A_1096 = vector.broadcast %mul3A_1095 : f32 to vector<16xf32>
    %mul3A_1097 = arith.mulf %mul3A_1096, %exp3A_1094 : vector<16xf32>
    %add3A_1098 = arith.constant -0.129957199 : f32
    %add3A_1099 = vector.broadcast %add3A_1098 : f32 to vector<16xf32>
    %add3A_1100 = arith.addf %mul3A_1097, %add3A_1099 : vector<16xf32>
    %mul3A_1101 = arith.mulf %add3A_1100, %exp3A_1094 : vector<16xf32>
    %add3A_1102 = arith.constant 0.283823192 : f32
    %add3A_1103 = vector.broadcast %add3A_1102 : f32 to vector<16xf32>
    %add3A_1104 = arith.addf %mul3A_1101, %add3A_1103 : vector<16xf32>
    %mul3A_1105 = arith.mulf %add3A_1104, %exp3A_1094 : vector<16xf32>
    %add3A_1106 = arith.constant -0.489699095 : f32
    %add3A_1107 = vector.broadcast %add3A_1106 : f32 to vector<16xf32>
    %add3A_1108 = arith.addf %mul3A_1105, %add3A_1107 : vector<16xf32>
    %mul3A_1109 = arith.mulf %add3A_1108, %exp3A_1094 : vector<16xf32>
    %add3A_1110 = arith.constant 0.999166429 : f32
    %add3A_1111 = vector.broadcast %add3A_1110 : f32 to vector<16xf32>
    %add3A_1112 = arith.addf %mul3A_1109, %add3A_1111 : vector<16xf32>
    %mul3A_1113 = arith.mulf %add3A_1112, %exp3A_1094 : vector<16xf32>
    %add3A_1114 = arith.constant 1.14470977E-5 : f32
    %add3A_1115 = vector.broadcast %add3A_1114 : f32 to vector<16xf32>
    %add3A_1116 = arith.addf %mul3A_1113, %add3A_1115 : vector<16xf32>
    %min3A_1117 = arith.constant 0.000000e+00 : f32
    %min3A_1118 = vector.broadcast %min3A_1117 : f32 to vector<16xf32>
    %min3A_1119 = arith.minimumf %get3A_1086, %min3A_1118 : vector<16xf32>
    %sub3A_1120 = arith.subf %add3A_1116, %min3A_1119 : vector<16xf32>
    %mul3A_1121 = arith.mulf %sub3A_1120, %get3A_1089 : vector<16xf32>
    %swap3A_1122 = arith.constant 400 : index
    %swap3A_1123 = tpu.vector_load %arg9[%swap3A_1122] {strides = array<i32>} : memref<512xf32, #tpu.memory_space<vmem>>, vector<16xf32>,
    %swap3A_1124 = vector.shape_cast %swap3A_1123 : vector<16xf32> to vector<16xf32>
    %swap3A_1125 = vector.shape_cast %mul3A_1121 : vector<16xf32> to vector<16xf32>
    tpu.vector_store %arg9[%swap3A_1122], %swap3A_1125 {strides = array<i32>} : memref<512xf32, #tpu.memory_space<vmem>>, vector<16xf32>,
    %get3A_1126 = arith.constant 416 : index
    %get3A_1127 = tpu.vector_load %arg7[%get3A_1126] {strides = array<i32>} : memref<512xf32, #tpu.memory_space<vmem>>, vector<16xf32>,
    %get3A_1128 = vector.shape_cast %get3A_1127 : vector<16xf32> to vector<16xf32>
    %get3A_1129 = arith.constant 416 : index
    %get3A_1130 = tpu.vector_load %arg8[%get3A_1129] {strides = array<i32>} : memref<512xf32, #tpu.memory_space<vmem>>, vector<16xf32>,
    %get3A_1131 = vector.shape_cast %get3A_1130 : vector<16xf32> to vector<16xf32>
    %abs3A_1132 = math.absf %get3A_1128 : vector<16xf32>
    %neg3A_1133 = arith.constant 0.000000e+00 : f32
    %neg3A_1134 = vector.broadcast %neg3A_1133 : f32 to vector<16xf32>
    %neg3A_1135 = arith.subf %neg3A_1134, %abs3A_1132 : vector<16xf32>
    %exp3A_1136 = math.exp %neg3A_1135 : vector<16xf32>
    %mul3A_1137 = arith.constant 0.0298087653 : f32
    %mul3A_1138 = vector.broadcast %mul3A_1137 : f32 to vector<16xf32>
    %mul3A_1139 = arith.mulf %mul3A_1138, %exp3A_1136 : vector<16xf32>
    %add3A_1140 = arith.constant -0.129957199 : f32
    %add3A_1141 = vector.broadcast %add3A_1140 : f32 to vector<16xf32>
    %add3A_1142 = arith.addf %mul3A_1139, %add3A_1141 : vector<16xf32>
    %mul3A_1143 = arith.mulf %add3A_1142, %exp3A_1136 : vector<16xf32>
    %add3A_1144 = arith.constant 0.283823192 : f32
    %add3A_1145 = vector.broadcast %add3A_1144 : f32 to vector<16xf32>
    %add3A_1146 = arith.addf %mul3A_1143, %add3A_1145 : vector<16xf32>
    %mul3A_1147 = arith.mulf %add3A_1146, %exp3A_1136 : vector<16xf32>
    %add3A_1148 = arith.constant -0.489699095 : f32
    %add3A_1149 = vector.broadcast %add3A_1148 : f32 to vector<16xf32>
    %add3A_1150 = arith.addf %mul3A_1147, %add3A_1149 : vector<16xf32>
    %mul3A_1151 = arith.mulf %add3A_1150, %exp3A_1136 : vector<16xf32>
    %add3A_1152 = arith.constant 0.999166429 : f32
    %add3A_1153 = vector.broadcast %add3A_1152 : f32 to vector<16xf32>
    %add3A_1154 = arith.addf %mul3A_1151, %add3A_1153 : vector<16xf32>
    %mul3A_1155 = arith.mulf %add3A_1154, %exp3A_1136 : vector<16xf32>
    %add3A_1156 = arith.constant 1.14470977E-5 : f32
    %add3A_1157 = vector.broadcast %add3A_1156 : f32 to vector<16xf32>
    %add3A_1158 = arith.addf %mul3A_1155, %add3A_1157 : vector<16xf32>
    %min3A_1159 = arith.constant 0.000000e+00 : f32
    %min3A_1160 = vector.broadcast %min3A_1159 : f32 to vector<16xf32>
    %min3A_1161 = arith.minimumf %get3A_1128, %min3A_1160 : vector<16xf32>
    %sub3A_1162 = arith.subf %add3A_1158, %min3A_1161 : vector<16xf32>
    %mul3A_1163 = arith.mulf %sub3A_1162, %get3A_1131 : vector<16xf32>
    %swap3A_1164 = arith.constant 416 : index
    %swap3A_1165 = tpu.vector_load %arg9[%swap3A_1164] {strides = array<i32>} : memref<512xf32, #tpu.memory_space<vmem>>, vector<16xf32>,
    %swap3A_1166 = vector.shape_cast %swap3A_1165 : vector<16xf32> to vector<16xf32>
    %swap3A_1167 = vector.shape_cast %mul3A_1163 : vector<16xf32> to vector<16xf32>
    tpu.vector_store %arg9[%swap3A_1164], %swap3A_1167 {strides = array<i32>} : memref<512xf32, #tpu.memory_space<vmem>>, vector<16xf32>,
    %get3A_1168 = arith.constant 432 : index
    %get3A_1169 = tpu.vector_load %arg7[%get3A_1168] {strides = array<i32>} : memref<512xf32, #tpu.memory_space<vmem>>, vector<16xf32>,
    %get3A_1170 = vector.shape_cast %get3A_1169 : vector<16xf32> to vector<16xf32>
    %get3A_1171 = arith.constant 432 : index
    %get3A_1172 = tpu.vector_load %arg8[%get3A_1171] {strides = array<i32>} : memref<512xf32, #tpu.memory_space<vmem>>, vector<16xf32>,
    %get3A_1173 = vector.shape_cast %get3A_1172 : vector<16xf32> to vector<16xf32>
    %abs3A_1174 = math.absf %get3A_1170 : vector<16xf32>
    %neg3A_1175 = arith.constant 0.000000e+00 : f32
    %neg3A_1176 = vector.broadcast %neg3A_1175 : f32 to vector<16xf32>
    %neg3A_1177 = arith.subf %neg3A_1176, %abs3A_1174 : vector<16xf32>
    %exp3A_1178 = math.exp %neg3A_1177 : vector<16xf32>
    %mul3A_1179 = arith.constant 0.0298087653 : f32
    %mul3A_1180 = vector.broadcast %mul3A_1179 : f32 to vector<16xf32>
    %mul3A_1181 = arith.mulf %mul3A_1180, %exp3A_1178 : vector<16xf32>
    %add3A_1182 = arith.constant -0.129957199 : f32
    %add3A_1183 = vector.broadcast %add3A_1182 : f32 to vector<16xf32>
    %add3A_1184 = arith.addf %mul3A_1181, %add3A_1183 : vector<16xf32>
    %mul3A_1185 = arith.mulf %add3A_1184, %exp3A_1178 : vector<16xf32>
    %add3A_1186 = arith.constant 0.283823192 : f32
    %add3A_1187 = vector.broadcast %add3A_1186 : f32 to vector<16xf32>
    %add3A_1188 = arith.addf %mul3A_1185, %add3A_1187 : vector<16xf32>
    %mul3A_1189 = arith.mulf %add3A_1188, %exp3A_1178 : vector<16xf32>
    %add3A_1190 = arith.constant -0.489699095 : f32
    %add3A_1191 = vector.broadcast %add3A_1190 : f32 to vector<16xf32>
    %add3A_1192 = arith.addf %mul3A_1189, %add3A_1191 : vector<16xf32>
    %mul3A_1193 = arith.mulf %add3A_1192, %exp3A_1178 : vector<16xf32>
    %add3A_1194 = arith.constant 0.999166429 : f32
    %add3A_1195 = vector.broadcast %add3A_1194 : f32 to vector<16xf32>
    %add3A_1196 = arith.addf %mul3A_1193, %add3A_1195 : vector<16xf32>
    %mul3A_1197 = arith.mulf %add3A_1196, %exp3A_1178 : vector<16xf32>
    %add3A_1198 = arith.constant 1.14470977E-5 : f32
    %add3A_1199 = vector.broadcast %add3A_1198 : f32 to vector<16xf32>
    %add3A_1200 = arith.addf %mul3A_1197, %add3A_1199 : vector<16xf32>
    %min3A_1201 = arith.constant 0.000000e+00 : f32
    %min3A_1202 = vector.broadcast %min3A_1201 : f32 to vector<16xf32>
    %min3A_1203 = arith.minimumf %get3A_1170, %min3A_1202 : vector<16xf32>
    %sub3A_1204 = arith.subf %add3A_1200, %min3A_1203 : vector<16xf32>
    %mul3A_1205 = arith.mulf %sub3A_1204, %get3A_1173 : vector<16xf32>
    %swap3A_1206 = arith.constant 432 : index
    %swap3A_1207 = tpu.vector_load %arg9[%swap3A_1206] {strides = array<i32>} : memref<512xf32, #tpu.memory_space<vmem>>, vector<16xf32>,
    %swap3A_1208 = vector.shape_cast %swap3A_1207 : vector<16xf32> to vector<16xf32>
    %swap3A_1209 = vector.shape_cast %mul3A_1205 : vector<16xf32> to vector<16xf32>
    tpu.vector_store %arg9[%swap3A_1206], %swap3A_1209 {strides = array<i32>} : memref<512xf32, #tpu.memory_space<vmem>>, vector<16xf32>,
    %get3A_1210 = arith.constant 448 : index
    %get3A_1211 = tpu.vector_load %arg7[%get3A_1210] {strides = array<i32>} : memref<512xf32, #tpu.memory_space<vmem>>, vector<16xf32>,
    %get3A_1212 = vector.shape_cast %get3A_1211 : vector<16xf32> to vector<16xf32>
    %get3A_1213 = arith.constant 448 : index
    %get3A_1214 = tpu.vector_load %arg8[%get3A_1213] {strides = array<i32>} : memref<512xf32, #tpu.memory_space<vmem>>, vector<16xf32>,
    %get3A_1215 = vector.shape_cast %get3A_1214 : vector<16xf32> to vector<16xf32>
    %abs3A_1216 = math.absf %get3A_1212 : vector<16xf32>
    %neg3A_1217 = arith.constant 0.000000e+00 : f32
    %neg3A_1218 = vector.broadcast %neg3A_1217 : f32 to vector<16xf32>
    %neg3A_1219 = arith.subf %neg3A_1218, %abs3A_1216 : vector<16xf32>
    %exp3A_1220 = math.exp %neg3A_1219 : vector<16xf32>
    %mul3A_1221 = arith.constant 0.0298087653 : f32
    %mul3A_1222 = vector.broadcast %mul3A_1221 : f32 to vector<16xf32>
    %mul3A_1223 = arith.mulf %mul3A_1222, %exp3A_1220 : vector<16xf32>
    %add3A_1224 = arith.constant -0.129957199 : f32
    %add3A_1225 = vector.broadcast %add3A_1224 : f32 to vector<16xf32>
    %add3A_1226 = arith.addf %mul3A_1223, %add3A_1225 : vector<16xf32>
    %mul3A_1227 = arith.mulf %add3A_1226, %exp3A_1220 : vector<16xf32>
    %add3A_1228 = arith.constant 0.283823192 : f32
    %add3A_1229 = vector.broadcast %add3A_1228 : f32 to vector<16xf32>
    %add3A_1230 = arith.addf %mul3A_1227, %add3A_1229 : vector<16xf32>
    %mul3A_1231 = arith.mulf %add3A_1230, %exp3A_1220 : vector<16xf32>
    %add3A_1232 = arith.constant -0.489699095 : f32
    %add3A_1233 = vector.broadcast %add3A_1232 : f32 to vector<16xf32>
    %add3A_1234 = arith.addf %mul3A_1231, %add3A_1233 : vector<16xf32>
    %mul3A_1235 = arith.mulf %add3A_1234, %exp3A_1220 : vector<16xf32>
    %add3A_1236 = arith.constant 0.999166429 : f32
    %add3A_1237 = vector.broadcast %add3A_1236 : f32 to vector<16xf32>
    %add3A_1238 = arith.addf %mul3A_1235, %add3A_1237 : vector<16xf32>
    %mul3A_1239 = arith.mulf %add3A_1238, %exp3A_1220 : vector<16xf32>
    %add3A_1240 = arith.constant 1.14470977E-5 : f32
    %add3A_1241 = vector.broadcast %add3A_1240 : f32 to vector<16xf32>
    %add3A_1242 = arith.addf %mul3A_1239, %add3A_1241 : vector<16xf32>
    %min3A_1243 = arith.constant 0.000000e+00 : f32
    %min3A_1244 = vector.broadcast %min3A_1243 : f32 to vector<16xf32>
    %min3A_1245 = arith.minimumf %get3A_1212, %min3A_1244 : vector<16xf32>
    %sub3A_1246 = arith.subf %add3A_1242, %min3A_1245 : vector<16xf32>
    %mul3A_1247 = arith.mulf %sub3A_1246, %get3A_1215 : vector<16xf32>
    %swap3A_1248 = arith.constant 448 : index
    %swap3A_1249 = tpu.vector_load %arg9[%swap3A_1248] {strides = array<i32>} : memref<512xf32, #tpu.memory_space<vmem>>, vector<16xf32>,
    %swap3A_1250 = vector.shape_cast %swap3A_1249 : vector<16xf32> to vector<16xf32>
    %swap3A_1251 = vector.shape_cast %mul3A_1247 : vector<16xf32> to vector<16xf32>
    tpu.vector_store %arg9[%swap3A_1248], %swap3A_1251 {strides = array<i32>} : memref<512xf32, #tpu.memory_space<vmem>>, vector<16xf32>,
    %get3A_1252 = arith.constant 464 : index
    %get3A_1253 = tpu.vector_load %arg7[%get3A_1252] {strides = array<i32>} : memref<512xf32, #tpu.memory_space<vmem>>, vector<16xf32>,
    %get3A_1254 = vector.shape_cast %get3A_1253 : vector<16xf32> to vector<16xf32>
    %get3A_1255 = arith.constant 464 : index
    %get3A_1256 = tpu.vector_load %arg8[%get3A_1255] {strides = array<i32>} : memref<512xf32, #tpu.memory_space<vmem>>, vector<16xf32>,
    %get3A_1257 = vector.shape_cast %get3A_1256 : vector<16xf32> to vector<16xf32>
    %abs3A_1258 = math.absf %get3A_1254 : vector<16xf32>
    %neg3A_1259 = arith.constant 0.000000e+00 : f32
    %neg3A_1260 = vector.broadcast %neg3A_1259 : f32 to vector<16xf32>
    %neg3A_1261 = arith.subf %neg3A_1260, %abs3A_1258 : vector<16xf32>
    %exp3A_1262 = math.exp %neg3A_1261 : vector<16xf32>
    %mul3A_1263 = arith.constant 0.0298087653 : f32
    %mul3A_1264 = vector.broadcast %mul3A_1263 : f32 to vector<16xf32>
    %mul3A_1265 = arith.mulf %mul3A_1264, %exp3A_1262 : vector<16xf32>
    %add3A_1266 = arith.constant -0.129957199 : f32
    %add3A_1267 = vector.broadcast %add3A_1266 : f32 to vector<16xf32>
    %add3A_1268 = arith.addf %mul3A_1265, %add3A_1267 : vector<16xf32>
    %mul3A_1269 = arith.mulf %add3A_1268, %exp3A_1262 : vector<16xf32>
    %add3A_1270 = arith.constant 0.283823192 : f32
    %add3A_1271 = vector.broadcast %add3A_1270 : f32 to vector<16xf32>
    %add3A_1272 = arith.addf %mul3A_1269, %add3A_1271 : vector<16xf32>
    %mul3A_1273 = arith.mulf %add3A_1272, %exp3A_1262 : vector<16xf32>
    %add3A_1274 = arith.constant -0.489699095 : f32
    %add3A_1275 = vector.broadcast %add3A_1274 : f32 to vector<16xf32>
    %add3A_1276 = arith.addf %mul3A_1273, %add3A_1275 : vector<16xf32>
    %mul3A_1277 = arith.mulf %add3A_1276, %exp3A_1262 : vector<16xf32>
    %add3A_1278 = arith.constant 0.999166429 : f32
    %add3A_1279 = vector.broadcast %add3A_1278 : f32 to vector<16xf32>
    %add3A_1280 = arith.addf %mul3A_1277, %add3A_1279 : vector<16xf32>
    %mul3A_1281 = arith.mulf %add3A_1280, %exp3A_1262 : vector<16xf32>
    %add3A_1282 = arith.constant 1.14470977E-5 : f32
    %add3A_1283 = vector.broadcast %add3A_1282 : f32 to vector<16xf32>
    %add3A_1284 = arith.addf %mul3A_1281, %add3A_1283 : vector<16xf32>
    %min3A_1285 = arith.constant 0.000000e+00 : f32
    %min3A_1286 = vector.broadcast %min3A_1285 : f32 to vector<16xf32>
    %min3A_1287 = arith.minimumf %get3A_1254, %min3A_1286 : vector<16xf32>
    %sub3A_1288 = arith.subf %add3A_1284, %min3A_1287 : vector<16xf32>
    %mul3A_1289 = arith.mulf %sub3A_1288, %get3A_1257 : vector<16xf32>
    %swap3A_1290 = arith.constant 464 : index
    %swap3A_1291 = tpu.vector_load %arg9[%swap3A_1290] {strides = array<i32>} : memref<512xf32, #tpu.memory_space<vmem>>, vector<16xf32>,
    %swap3A_1292 = vector.shape_cast %swap3A_1291 : vector<16xf32> to vector<16xf32>
    %swap3A_1293 = vector.shape_cast %mul3A_1289 : vector<16xf32> to vector<16xf32>
    tpu.vector_store %arg9[%swap3A_1290], %swap3A_1293 {strides = array<i32>} : memref<512xf32, #tpu.memory_space<vmem>>, vector<16xf32>,
    %get3A_1294 = arith.constant 480 : index
    %get3A_1295 = tpu.vector_load %arg7[%get3A_1294] {strides = array<i32>} : memref<512xf32, #tpu.memory_space<vmem>>, vector<16xf32>,
    %get3A_1296 = vector.shape_cast %get3A_1295 : vector<16xf32> to vector<16xf32>
    %get3A_1297 = arith.constant 480 : index
    %get3A_1298 = tpu.vector_load %arg8[%get3A_1297] {strides = array<i32>} : memref<512xf32, #tpu.memory_space<vmem>>, vector<16xf32>,
    %get3A_1299 = vector.shape_cast %get3A_1298 : vector<16xf32> to vector<16xf32>
    %abs3A_1300 = math.absf %get3A_1296 : vector<16xf32>
    %neg3A_1301 = arith.constant 0.000000e+00 : f32
    %neg3A_1302 = vector.broadcast %neg3A_1301 : f32 to vector<16xf32>
    %neg3A_1303 = arith.subf %neg3A_1302, %abs3A_1300 : vector<16xf32>
    %exp3A_1304 = math.exp %neg3A_1303 : vector<16xf32>
    %mul3A_1305 = arith.constant 0.0298087653 : f32
    %mul3A_1306 = vector.broadcast %mul3A_1305 : f32 to vector<16xf32>
    %mul3A_1307 = arith.mulf %mul3A_1306, %exp3A_1304 : vector<16xf32>
    %add3A_1308 = arith.constant -0.129957199 : f32
    %add3A_1309 = vector.broadcast %add3A_1308 : f32 to vector<16xf32>
    %add3A_1310 = arith.addf %mul3A_1307, %add3A_1309 : vector<16xf32>
    %mul3A_1311 = arith.mulf %add3A_1310, %exp3A_1304 : vector<16xf32>
    %add3A_1312 = arith.constant 0.283823192 : f32
    %add3A_1313 = vector.broadcast %add3A_1312 : f32 to vector<16xf32>
    %add3A_1314 = arith.addf %mul3A_1311, %add3A_1313 : vector<16xf32>
    %mul3A_1315 = arith.mulf %add3A_1314, %exp3A_1304 : vector<16xf32>
    %add3A_1316 = arith.constant -0.489699095 : f32
    %add3A_1317 = vector.broadcast %add3A_1316 : f32 to vector<16xf32>
    %add3A_1318 = arith.addf %mul3A_1315, %add3A_1317 : vector<16xf32>
    %mul3A_1319 = arith.mulf %add3A_1318, %exp3A_1304 : vector<16xf32>
    %add3A_1320 = arith.constant 0.999166429 : f32
    %add3A_1321 = vector.broadcast %add3A_1320 : f32 to vector<16xf32>
    %add3A_1322 = arith.addf %mul3A_1319, %add3A_1321 : vector<16xf32>
    %mul3A_1323 = arith.mulf %add3A_1322, %exp3A_1304 : vector<16xf32>
    %add3A_1324 = arith.constant 1.14470977E-5 : f32
    %add3A_1325 = vector.broadcast %add3A_1324 : f32 to vector<16xf32>
    %add3A_1326 = arith.addf %mul3A_1323, %add3A_1325 : vector<16xf32>
    %min3A_1327 = arith.constant 0.000000e+00 : f32
    %min3A_1328 = vector.broadcast %min3A_1327 : f32 to vector<16xf32>
    %min3A_1329 = arith.minimumf %get3A_1296, %min3A_1328 : vector<16xf32>
    %sub3A_1330 = arith.subf %add3A_1326, %min3A_1329 : vector<16xf32>
    %mul3A_1331 = arith.mulf %sub3A_1330, %get3A_1299 : vector<16xf32>
    %swap3A_1332 = arith.constant 480 : index
    %swap3A_1333 = tpu.vector_load %arg9[%swap3A_1332] {strides = array<i32>} : memref<512xf32, #tpu.memory_space<vmem>>, vector<16xf32>,
    %swap3A_1334 = vector.shape_cast %swap3A_1333 : vector<16xf32> to vector<16xf32>
    %swap3A_1335 = vector.shape_cast %mul3A_1331 : vector<16xf32> to vector<16xf32>
    tpu.vector_store %arg9[%swap3A_1332], %swap3A_1335 {strides = array<i32>} : memref<512xf32, #tpu.memory_space<vmem>>, vector<16xf32>,
    %get3A_1336 = arith.constant 496 : index
    %get3A_1337 = tpu.vector_load %arg7[%get3A_1336] {strides = array<i32>} : memref<512xf32, #tpu.memory_space<vmem>>, vector<16xf32>,
    %get3A_1338 = vector.shape_cast %get3A_1337 : vector<16xf32> to vector<16xf32>
    %get3A_1339 = arith.constant 496 : index
    %get3A_1340 = tpu.vector_load %arg8[%get3A_1339] {strides = array<i32>} : memref<512xf32, #tpu.memory_space<vmem>>, vector<16xf32>,
    %get3A_1341 = vector.shape_cast %get3A_1340 : vector<16xf32> to vector<16xf32>
    %abs3A_1342 = math.absf %get3A_1338 : vector<16xf32>
    %neg3A_1343 = arith.constant 0.000000e+00 : f32
    %neg3A_1344 = vector.broadcast %neg3A_1343 : f32 to vector<16xf32>
    %neg3A_1345 = arith.subf %neg3A_1344, %abs3A_1342 : vector<16xf32>
    %exp3A_1346 = math.exp %neg3A_1345 : vector<16xf32>
    %mul3A_1347 = arith.constant 0.0298087653 : f32
    %mul3A_1348 = vector.broadcast %mul3A_1347 : f32 to vector<16xf32>
    %mul3A_1349 = arith.mulf %mul3A_1348, %exp3A_1346 : vector<16xf32>
    %add3A_1350 = arith.constant -0.129957199 : f32
    %add3A_1351 = vector.broadcast %add3A_1350 : f32 to vector<16xf32>
    %add3A_1352 = arith.addf %mul3A_1349, %add3A_1351 : vector<16xf32>
    %mul3A_1353 = arith.mulf %add3A_1352, %exp3A_1346 : vector<16xf32>
    %add3A_1354 = arith.constant 0.283823192 : f32
    %add3A_1355 = vector.broadcast %add3A_1354 : f32 to vector<16xf32>
    %add3A_1356 = arith.addf %mul3A_1353, %add3A_1355 : vector<16xf32>
    %mul3A_1357 = arith.mulf %add3A_1356, %exp3A_1346 : vector<16xf32>
    %add3A_1358 = arith.constant -0.489699095 : f32
    %add3A_1359 = vector.broadcast %add3A_1358 : f32 to vector<16xf32>
    %add3A_1360 = arith.addf %mul3A_1357, %add3A_1359 : vector<16xf32>
    %mul3A_1361 = arith.mulf %add3A_1360, %exp3A_1346 : vector<16xf32>
    %add3A_1362 = arith.constant 0.999166429 : f32
    %add3A_1363 = vector.broadcast %add3A_1362 : f32 to vector<16xf32>
    %add3A_1364 = arith.addf %mul3A_1361, %add3A_1363 : vector<16xf32>
    %mul3A_1365 = arith.mulf %add3A_1364, %exp3A_1346 : vector<16xf32>
    %add3A_1366 = arith.constant 1.14470977E-5 : f32
    %add3A_1367 = vector.broadcast %add3A_1366 : f32 to vector<16xf32>
    %add3A_1368 = arith.addf %mul3A_1365, %add3A_1367 : vector<16xf32>
    %min3A_1369 = arith.constant 0.000000e+00 : f32
    %min3A_1370 = vector.broadcast %min3A_1369 : f32 to vector<16xf32>
    %min3A_1371 = arith.minimumf %get3A_1338, %min3A_1370 : vector<16xf32>
    %sub3A_1372 = arith.subf %add3A_1368, %min3A_1371 : vector<16xf32>
    %mul3A_1373 = arith.mulf %sub3A_1372, %get3A_1341 : vector<16xf32>
    %swap3A_1374 = arith.constant 496 : index
    %swap3A_1375 = tpu.vector_load %arg9[%swap3A_1374] {strides = array<i32>} : memref<512xf32, #tpu.memory_space<vmem>>, vector<16xf32>,
    %swap3A_1376 = vector.shape_cast %swap3A_1375 : vector<16xf32> to vector<16xf32>
    %swap3A_1377 = vector.shape_cast %mul3A_1373 : vector<16xf32> to vector<16xf32>
    tpu.vector_store %arg9[%swap3A_1374], %swap3A_1377 {strides = array<i32>} : memref<512xf32, #tpu.memory_space<vmem>>, vector<16xf32>,
    %add3A_1378 = arith.constant 256 : i32
    %add3A_1379 = arith.addi %mul3A_2, %add3A_1378 : i32
    %dma_start3A_1380 = arith.constant 256 : i32
    %dma_start3A_1381 = tpu.memref_slice %arg9[%dma_start3A_1380] : memref<512xf32, #tpu.memory_space<vmem>> -> memref<256xf32, #tpu.memory_space<vmem>>
    %dma_start3A_1382 = tpu.memref_slice %arg5[%add3A_1379] : memref<16384xf32, #tpu.memory_space<hbm>> -> memref<256xf32, #tpu.memory_space<hbm>>
    %dma_start3A_1383 = tpu.memref_slice %arg5[%add3A_1379] : memref<16384xf32, #tpu.memory_space<hbm>> -> memref<256xf32, #tpu.memory_space<hbm>>
    %dma_start3A_1384 = arith.constant 256 : i32
    %dma_start3A_1385 = tpu.memref_slice %arg9[%dma_start3A_1384] : memref<512xf32, #tpu.memory_space<vmem>> -> memref<256xf32, #tpu.memory_space<vmem>>
    tpu.enqueue_dma source(%dma_start3A_1385 : memref<256xf32, #tpu.memory_space<vmem>>) target(%dma_start3A_1383 : memref<256xf32, #tpu.memory_space<hbm>>) target_semaphore(%arg14 : memref<!tpu.dma_semaphore, #tpu.memory_space<semaphore_mem>>)
    %dma_wait3A_1386 = arith.constant 0 : i32
    %dma_wait3A_1387 = tpu.memref_slice %arg9[%dma_wait3A_1386] : memref<512xf32, #tpu.memory_space<vmem>> -> memref<256xf32, #tpu.memory_space<vmem>>
    %dma_wait3A_1388 = tpu.memref_slice %arg5[%add3A_693] : memref<16384xf32, #tpu.memory_space<hbm>> -> memref<256xf32, #tpu.memory_space<hbm>>
    %dma_wait3A_1389 = tpu.memref_slice %arg5[%add3A_693] : memref<16384xf32, #tpu.memory_space<hbm>> -> memref<256xf32, #tpu.memory_space<hbm>>
    %dma_wait3A_1390 = arith.constant 0 : i32
    %dma_wait3A_1391 = tpu.memref_slice %arg9[%dma_wait3A_1390] : memref<512xf32, #tpu.memory_space<vmem>> -> memref<256xf32, #tpu.memory_space<vmem>>
    tpu.wait_dma2 semaphore(%arg14 : memref<!tpu.dma_semaphore, #tpu.memory_space<semaphore_mem>>) src(%dma_wait3A_1391 : memref<256xf32, #tpu.memory_space<vmem>>) dst(%dma_wait3A_1389 : memref<256xf32, #tpu.memory_space<hbm>>)
    %dma_wait3A_1392 = arith.constant 256 : i32
    %dma_wait3A_1393 = tpu.memref_slice %arg9[%dma_wait3A_1392] : memref<512xf32, #tpu.memory_space<vmem>> -> memref<256xf32, #tpu.memory_space<vmem>>
    %dma_wait3A_1394 = tpu.memref_slice %arg5[%add3A_1379] : memref<16384xf32, #tpu.memory_space<hbm>> -> memref<256xf32, #tpu.memory_space<hbm>>
    %dma_wait3A_1395 = tpu.memref_slice %arg5[%add3A_1379] : memref<16384xf32, #tpu.memory_space<hbm>> -> memref<256xf32, #tpu.memory_space<hbm>>
    %dma_wait3A_1396 = arith.constant 256 : i32
    %dma_wait3A_1397 = tpu.memref_slice %arg9[%dma_wait3A_1396] : memref<512xf32, #tpu.memory_space<vmem>> -> memref<256xf32, #tpu.memory_space<vmem>>
    tpu.wait_dma2 semaphore(%arg14 : memref<!tpu.dma_semaphore, #tpu.memory_space<semaphore_mem>>) src(%dma_wait3A_1397 : memref<256xf32, #tpu.memory_space<vmem>>) dst(%dma_wait3A_1395 : memref<256xf32, #tpu.memory_space<hbm>>)
    return
  }
}

</mosaic_0001>

<sc_bundles>
// kernel: _bandit_loss.3.cloned.1.call-start
scs
__scs_entry_jumppad:
0x0: {  	(pc) =	sbr.rel $0x88, $3  }
0x1: {  	(tag) =	ssettag $0x0;
	lr =	simm.s32 $0x1  }
0x2: {  	[smem:$0x3F9E] =	sst lr;
	_ =	strace $0xD0000000  }
0x3: {  	_ = 	snop  }
0x4: {  	_ = 	snop  }
0x5: {  	_ = 	snop  }
0x6: {  	_ = 	snop  }
0x7: {  	_ = 	snop  }
__scs_overlays_trampoline_lowered:
0x8: {  	[smem:$0x3FAD] =	sst s0  }
0x9: {  	[smem:$0x3FAE] =	sst s1  }
0xa: {  	[smem:$0x3FAF] =	sst s2  }
0xb: {  	[smem:$0x3FB0] =	sst s3  }
0xc: {  	[smem:$0x3FB1] =	sst s4  }
0xd: {  	[smem:$0x3FB2] =	sst s5  }
0xe: {  	[smem:$0x3FB3] =	sst s6  }
0xf: {  	[smem:$0x3FB4] =	sst s7  }
0x10: {  	[smem:$0x3FB5] =	sst s8  }
0x11: {  	[smem:$0x3FB6] =	sst s9;
	s0 =	simm.s32 @!p0 $0x0  }
0x12: {  	s1 =	sld [smem:$0x3F9C];
	s0 =	simm.s32 @p0 $0x1  }
0x13: {  	[smem:$0x3FB7] =	sst s0;
	s0 =	simm.s32 @!p1 $0x0  }
0x14: {  	s2 =	sld [smem:$0x3F9B];
	s0 =	simm.s32 @p1 $0x1  }
0x15: {  	[smem:$0x3FB8] =	sst s0;
	s0 =	simm.s32 @!p2 $0x0  }
0x16: {  	s3 =	sld [smem:$0x3FDB];
	s0 =	simm.s32 @p2 $0x1  }
0x17: {  	s4 =	simm.s32 $0x1BF5;
	[smem:$0x3FBA] =	sst s0  }
0x18: {  	s0 =	sld [smem:$0x3F9D];
	_ =	swait.ge [sflag:s4], $0x0  }
0x19: {  	s7 =	sld [smem:$0x3F9E]  }
0x1a: {  	s8 =	sadd.s32 $0xFFFFE003, lr  }
0x1b: {  	s9 =	sadd.s32 $0xFFFFFEF7, lr;
	s5 =	simm.s32 $0xFFFFFFFF;
	p2 =	slt.u32 s8, $0xFFFFF086  }
0x1c: {  	p1 =	slt.u32 s9, $0xF7A;
	s5 =	simm.s32 @!p2 $0x0  }
0x1d: {  	s5 =	simm.s32 @p1 $0x1;
	p0 =	seq.s32 s7, s2  }
0x1e: {  	s7 =	smul.u32 @!p0 $0xF7A, s2;
	p2 =	seq.s32 @!p0 s5, $0x0  }
0x1f: {  	s9 =	smul.u32 $0xF7A, s1;
	s8 =	simm.s32 @!p0 $0x1BF5;
	p2 =	por !p2, p0  }
0x20: {  	[sflag:s8] =	ssyncset.s32 @!p0 $0xFFFFF086;
	s6 =	sadd.s32 @!p0 s3, s7;
	s7 =	simm.s32 @!p0 $0x108  }
0x21: {  	s3 =	sadd.s32 s3, s9;
	s6 =	sadd.s32 @!p0 $0x88, s6;
	s7 =	simm.s32 @p2 $0x1082  }
0x22: {  	[simem:s7], [sflag:s8] =	dma.local @!p0 [hbm:s6], $0xF7A  }
0x23: {  	s9 =	sor.u32 $0xD0000000, s2;
	s6 =	simm.s32 $0x108;
	_ =	swait.ge @!p0 [sflag:s8], $0x0  }
0x24: {  	s3 =	sadd.s32 $0x88, s3;
	s6 =	simm.s32 @!p1 $0x1082;
	[sflag:s4] =	ssyncset.s32 $0xFFFFF086  }
0x25: {  	[simem:s6], [sflag:s4] =	dma.local [hbm:s3], $0xF7A  }
0x26: {  	[smem:$0x3F9E] =	sst s1;
	(tag) =	ssettag s2;
	_ =	strace s9  }
0x27: {  	s1 =	sld [smem:$0x3FAE]  }
0x28: {  	s2 =	sld [smem:$0x3FAF]  }
0x29: {  	s4 =	sld [smem:$0x3FB1]  }
0x2a: {  	p0 =	seq.s32 s5, $0x0;
	s5 =	sld [smem:$0x3FB2]  }
0x2b: {  	s6 =	sld [smem:$0x3FB3]  }
0x2c: {  	s7 =	sld [smem:$0x3FB4]  }
0x2d: {  	s3 =	simm.s32 $0x108;
	s8 =	sld [smem:$0x3FB5]  }
0x2e: {  	s3 =	simm.s32 @!p0 $0x1082;
	s9 =	sld [smem:$0x3FB6]  }
0x2f: {  	lr =	sadd.s32 s0, s3;
	s0 =	sld [smem:$0x3FAD]  }
0x30: {  	s3 =	sld [smem:$0x3FB0]  }
0x31: {  	[smem:$0x3FB9] =	sst s10  }
0x32: {  	s10 =	sld [smem:$0x3FB7];
	_ =	sdelay $0x3  }
0x33: {  	p0 =	seq.s32 s10, $0x1;
	s10 =	sld [smem:$0x3FB9];
	_ =	sdelay $0x3  }
0x34: {  	[smem:$0x3FB9] =	sst s10  }
0x35: {  	s10 =	sld [smem:$0x3FB8];
	_ =	sdelay $0x3  }
0x36: {  	p1 =	seq.s32 s10, $0x1;
	s10 =	sld [smem:$0x3FB9];
	_ =	sdelay $0x3  }
0x37: {  	[smem:$0x3FB9] =	sst s10  }
0x38: {  	s10 =	sld [smem:$0x3FBA]  }
0x39: {  	_ = 	snop;
	(pc) =	sbr.ind lr, $3  }
0x3a: {  	_ = 	snop  }
0x3b: {  	_ = 	snop  }
0x3c: {  	p2 =	seq.s32 s10, $0x1;
	s10 =	sld [smem:$0x3FB9]  }
0x3d: {  	_ =	shalt  }
0x3e: {  	_ =	shalt  }
0x3f: {  	_ =	shalt  }
0x40: {  	_ =	shalt  }
0x41: {  	_ =	shalt  }
0x42: {  	_ =	shalt  }
0x43: {  	_ =	shalt  }
0x44: {  	_ =	shalt  }
0x45: {  	_ =	shalt  }
0x46: {  	_ =	shalt  }
0x47: {  	_ =	shalt  }
0x48: {  	_ =	shalt  }
0x49: {  	_ =	shalt  }
0x4a: {  	_ =	shalt  }
0x4b: {  	_ =	shalt  }
0x4c: {  	_ =	shalt  }
0x4d: {  	_ =	shalt  }
0x4e: {  	_ =	shalt  }
0x4f: {  	_ =	shalt  }
0x50: {  	_ =	shalt  }
0x51: {  	_ =	shalt  }
0x52: {  	_ =	shalt  }
0x53: {  	_ =	shalt  }
0x54: {  	_ =	shalt  }
0x55: {  	_ =	shalt  }
0x56: {  	_ =	shalt  }
0x57: {  	_ =	shalt  }
0x58: {  	_ =	shalt  }
0x59: {  	_ =	shalt  }
0x5a: {  	_ =	shalt  }
0x5b: {  	_ =	shalt  }
0x5c: {  	_ =	shalt  }
0x5d: {  	_ =	shalt  }
0x5e: {  	_ =	shalt  }
0x5f: {  	_ =	shalt  }
0x60: {  	_ =	shalt  }
0x61: {  	_ =	shalt  }
0x62: {  	_ =	shalt  }
0x63: {  	_ =	shalt  }
0x64: {  	_ =	shalt  }
0x65: {  	_ =	shalt  }
0x66: {  	_ =	shalt  }
0x67: {  	_ =	shalt  }
0x68: {  	_ =	shalt  }
0x69: {  	_ =	shalt  }
0x6a: {  	_ =	shalt  }
0x6b: {  	_ =	shalt  }
0x6c: {  	_ =	shalt  }
0x6d: {  	_ =	shalt  }
0x6e: {  	_ =	shalt  }
0x6f: {  	_ =	shalt  }
0x70: {  	_ =	shalt  }
0x71: {  	_ =	shalt  }
0x72: {  	_ =	shalt  }
0x73: {  	_ =	shalt  }
0x74: {  	_ =	shalt  }
0x75: {  	_ =	shalt  }
0x76: {  	_ =	shalt  }
0x77: {  	_ =	shalt  }
0x78: {  	_ =	shalt  }
0x79: {  	_ =	shalt  }
0x7a: {  	_ =	shalt  }
0x7b: {  	_ =	shalt  }
0x7c: {  	_ =	shalt  }
0x7d: {  	_ =	shalt  }
0x7e: {  	_ =	shalt  }
0x7f: {  	_ =	shalt  }
0x80: {  	_ =	shalt  }
0x81: {  	_ =	shalt  }
0x82: {  	_ =	shalt  }
0x83: {  	_ =	shalt  }
0x84: {  	_ =	shalt  }
0x85: {  	_ =	shalt  }
0x86: {  	_ =	shalt  }
0x87: {  	_ =	shalt  }
.Lfunc_end0:
.L_simem_size_0:
called_computation_lowered:
.L_overlay_start_0:
0x88: {  	s2 =	sld [smem:$0x3FD9]  }
0x89: {  	s3 =	sld [smem:$0x3FFE];
	_ =	sdelay $0x1  }
0x8a: {  	s1 =	srdreg.scid  }
0x8b: {  	s0 =	sand.u32 $0x1, s1  }
0x8c: {  	s18 =	sshll.u32 s0, $0xA;
	s2 =	sadd.s32 s3, s2  }
0x8d: {  	s2 =	sadd.s32 s2, s18  }
0x8e: {  	[smem:$0x3FC5] =	sst s2  }
0x8f: {  	_ = 	snop  }
0x90: {  	s2 =	sld [smem:$0x3FC9]  }
0x91: {  	s19 =	sld [smem:$0x3FC8]  }
0x92: {  	s4 =	sld [smem:$0x3FC7]  }
0x93: {  	s5 =	sld [smem:$0x3FD0];
	(tm) =	ssettm $0x1  }
0x94: {  	s6 =	sld [smem:$0x3FFB];
	_ =	sdelay $0x3  }
0x95: {  	_ =	strace s6  }
0x96: {  	s6 =	sld [smem:$0x3FFC];
	_ =	sdelay $0x3  }
0x97: {  	_ =	strace s6  }
0x98: {  	s6 =	sld [smem:$0x3FFD];
	_ =	sdelay $0x3  }
0x99: {  	_ =	strace s6  }
0x9a: {  	_ =	strace $0x8FFFFFFF  }
0x9b: {  	s20 =	sld [smem:$0x3FDB];
	_ =	sdelay $0x1  }
0x9c: {  	s7 =	simm.s32 $_scs_section_size  }
0x9d: {  	s8 =	simm.s32 $_size__tile_overlayer_lowered;
	s9 =	simm.s32 $_tile_overlayer_lowered  }
0x9e: {  	s23 =	simm.s32 $0x1BFF;
	s22 =	sshll.u32 s9, $0x1;
	s6 =	sadd.s32 s7, s20  }
0x9f: {  	s10 =	simm.s32 $0x0;
	s21 =	sshll.u32 s8, $0x1;
	s8 =	sadd.s32 s22, s6  }
0xa0: {  	[timem:s10], [sflag:s23] =	dma.local [hbm:s8], s21  }
0xa1: {  	_ =	swait.ge [sflag:s23], s21  }
0xa2: {  	s7 =	ssub.s32 $0x0, s21;
	[sflag:s23] =	ssyncset.done $0x0  }
0xa3: {  	[sflag:s23] =	ssyncadd.s32 s7;
	_ =	sdelay $0x1  }
0xa4: {  	s24 =	simm.s32 $0x1B8B  }
0xa5: {  	_ =	swait.ge [sflag:s24], $0x1  }
0xa6: {  	[sflag:s24] =	ssyncset.done $0x0  }
0xa7: {  	s25 =	simm.s32 $0x1B8E;
	[sflag:s24] =	ssyncadd.s32 $0xFFFFFFFF  }
0xa8: {  	s26 =	simm.s32 $execute0_lowered;
	[smem:$0x3FD2] =	sst s25  }
0xa9: {  	s7 =	sshll.u32 s26, $0x1;
	_ =	strace $0x80000046;
	[dreg:$0x1] =	wrdreg $0xFFFFFFFF  }
0xaa: {  	s28 =	simm.s32 $_size_execute0_lowered;
	s6 =	sadd.s32 s6, s7;
	[dreg:$0x0] =	wrdreg $0x0  }
0xab: {  	s7 =	sshll.u32 s28, $0x1;
	[dreg:$0x2] =	wrdreg s6  }
0xac: {  	[dreg:$0x3] =	wrdreg s7  }
0xad: {  	[dreg:$0x4] =	wrdreg $0xC0  }
0xae: {  	_ =	task [dreg:s10], $0x5FFFF  }
0xaf: {  	[dreg:$0x1] =	wrdreg $0xFFFFFFFF  }
0xb0: {  	[dreg:$0x0] =	wrdreg $0x60  }
0xb1: {  	[dreg:$0x2] =	wrdreg s2  }
0xb2: {  	[dreg:$0x3] =	wrdreg s19  }
0xb3: {  	[dreg:$0x4] =	wrdreg s4  }
0xb4: {  	[dreg:$0x5] =	wrdreg s5  }
0xb5: {  	[dreg:$0x6] =	wrdreg $0x9  }
0xb6: {  	_ =	task.clear_ibuf [dreg:s10], $0x7FFFF;
	_ =	strace $0x90000046  }
0xb7: {  	s29 =	simm.s32 $0x9;
	_ =	strace $0x80000048  }
0xb8: {  	_ =	swait.ge [sflag:s29], $0x1  }
0xb9: {  	[sflag:s29] =	ssyncadd.s32 $0xFFFFFFFF  }
0xba: {  	_ =	strace $0x90000048  }
0xbb: {  	_ =	sfence  }
0xbc: {  	s30 =	sld [smem:$0x0];
	_ =	sdelay $0x2  }
0xbd: {  	s31 =	sshll.u32 s1, $0xD;
	s1 =	sshrl.u32 s1, $0x2  }
0xbe: {  	s3 =	sand.u32 $0x4000, s31;
	s1 =	sadd.s32 s1, s30  }
0xbf: {  	s0 =	sor.u32 s3, s0;
	s1 =	sshll.u32 s1, $0x11  }
0xc0: {  	s0 =	sor.u32 s1, s0  }
0xc1: {  	s0 =	sadd.s32 $0x8F2B, s0  }
0xc2: {  	[sflag:s0] =	ssyncadd.remote.s32 $0x1  }
0xc3: {  	_ =	sfence.sel $0xFFFF  }
0xc4: {  	[dreg:$0x0] =	wrdreg $0xFFFFFFFF;
	(pc) =	sbr.abs _section_cstart, $3  }
0xc5: {  	[dreg:$0x1] =	wrdreg $0xFFFFFFFF  }
0xc6: {  	_ =	task.clear_ibuf [dreg:s10], $0x2FFFF;
	_ =	strace $0x9FFFFFFF  }
0xc7: {  	(tm) =	ssettm $0x7FFFFFFF  }
tec
execute0_lowered:
.L_overlay_start_1:
0x0: {  	(tag) =	ssettag $0x1  }
0x1: {  	s1 =	rddreg [dreg:$0x0]  }
0x2: {  	s5 =	rddreg [dreg:$0x1]  }
0x3: {  	s6 =	rddreg [dreg:$0x2]  }
0x4: {  	s4 =	rddreg [dreg:$0x3]  }
0x5: {  	s0 =	rddreg [dreg:$0x4];
	s7 =	srdreg.scid  }
0x6: {  	s3 =	simm.s32 $0x0;
	s2 =	stileid.u32;
	s11 =	simm.s32 $0x100  }
0x7: {  	s12 =	simm.s32 $0x200;
	s13 =	simm.s32 $0x300;
	s14 =	simm.s32 $0x4  }
0x8: {  	s15 =	simm.s32 $0x2;
	s16 =	simm.s32 $0x600;
	s17 =	simm.s32 $0x3  }
0x9: {  	s18 =	simm.s32 $0x700;
	s19 =	simm.s32 $0x5;
	s7 =	sand.u32 $0x1, s7  }
0xa: {  	s9 =	sshll.u32 s2, $0x7;
	[smem:$0x7FF] =	sst s3;
	s8 =	ssub.s32 $0x2, s7  }
0xb: {  	s7 =	sshll.u32 s7, $0x6;
	_ =	strace $0x80000047;
	s10 =	sshrl.u32 s8, $0x1  }
0xc: {  	s7 =	sor.u32 s7, s9;
	s9 =	simm.s32 $0x400;
	s8 =	ssub.s32 s8, s10  }
0xd: {  	s4 =	sadd.s32 s4, s7;
	s5 =	sadd.s32 s5, s7;
	s6 =	sadd.s32 s6, s7  }
0xe: {  	s10 =	simm.s32 $0x1;
	s7 =	sadd.s32 $0x20, s4;
	s8 =	smax.u32 s8, $0x1  }
.LBB2_1:
0xf: {  	[tilespmem:s3], [sflag:$0x1] =	stream.linear.gather [hbm4b:s5+s3], $0x200, $0x38;
	[tilespmem:$0x800] =	vst v63  }
0x10: {  	_ = 	snop  }
0x11: {  	[tilespmem:s9], [sflag:$0x4] =	stream.linear.gather [hbm4b:s6+s3], $0x200, $0x38;
	[tilespmem:$0x800] =	vst v63  }
0x12: {  	_ =	swait.ge [sflag:s10], $0x200  }
0x13: {  	[sflag:s10] =	ssyncset.done $0x0  }
0x14: {  	[sflag:s10] =	ssyncadd.s32 $0xFFFFFE00  }
0x15: {  	[tilespmem:s12], [sflag:$0x2] =	stream.indirect.gather [hbm4b:s1+s11], $0x1, s3, s11, $0xb8;
	[tilespmem:$0x800] =	vst v63  }
0x16: {  	_ = 	snop  }
0x17: {  	[tilespmem:s13], [sflag:$0x3] =	stream.indirect.gather [hbm4b:s1+s11], $0x1, s11, s11, $0xb8;
	[tilespmem:$0x800] =	vst v63  }
0x18: {  	_ =	swait.ge [sflag:s14], $0x200  }
0x19: {  	[sflag:s14] =	ssyncset.done $0x0  }
0x1a: {  	[sflag:s14] =	ssyncadd.s32 $0xFFFFFE00  }
0x1b: {  	_ =	swait.ge [sflag:s15], $0x100  }
0x1c: {  	[sflag:s15] =	ssyncset.done $0x0  }
0x1d: {  	[sflag:s15] =	ssyncadd.s32 $0xFFFFFF00  }
0x1e: {  	v0 =	vld [tilespmem:$0x200];
	_ =	sdelay $0x4  }
0x1f: {  	v2 =	vand.u32 $0x7FFFFFFF, v0  }
0x20: {  	v2 =	vsub.f32 $0.0e+00, v2;
	_ =	sdelay $0x1  }
0x21: {  	v2 =	vmul.f32 $1.442695020e+00, v2  }
0x22: {  	v1 =	vld [tilespmem:$0x210]  }
0x23: {  	(erf) = vpow2.f32 v2;
	_ =	sdelay $0x1  }
0x24: {  	v59 =	vld [tilespmem:$0x220]  }
0x25: {  	v5 =	vld [tilespmem:$0x230]  }
0x26: {  	v10 =	vld [tilespmem:$0x240];
	v3 =	vand.u32 $0x7FFFFFFF, v1  }
0x27: {  	v3 =	vsub.f32 $0.0e+00, v3;
	_ =	sdelay $0x1  }
0x28: {  	v60 =	vand.u32 $0x7FFFFFFF, v59;
	v58 =	vmul.f32 $1.442695020e+00, v3  }
0x29: {  	v2 =	vsub.f32 $0.0e+00, v60  }
0x2a: {  	v8 =	vand.u32 $0x7FFFFFFF, v5;
	v9 =	vand.u32 $0x7FFFFFFF, v10;
	(erf) = vpow2.f32 v58;
	v4 =	vpop (erf)  }
0x2b: {  	v8 =	vsub.f32 $0.0e+00, v8;
	v2 =	vmul.f32 $1.442695020e+00, v2;
	v6 =	vmul.f32 $2.980876530e-02, v4  }
0x2c: {  	v11 =	vsub.f32 $0.0e+00, v9  }
0x2d: {  	v8 =	vmul.f32 $1.442695020e+00, v8;
	(erf) = vpow2.f32 v2;
	v61 =	vadd.f32 $-1.299571990e-01, v6  }
0x2e: {  	v63 =	vld [tilespmem:$0x250];
	v24 =	vmul.f32 $1.442695020e+00, v11  }
0x2f: {  	(erf) = vpow2.f32 v8;
	v2 =	vmul.f32 v61, v4  }
0x30: {  	(erf) = vpow2.f32 v24  }
0x31: {  	v2 =	vadd.f32 $2.838231920e-01, v2;
	_ =	sdelay $0x1  }
0x32: {  	v12 =	vand.u32 $0x7FFFFFFF, v63;
	v7 =	vpop (erf);
	v2 =	vmul.f32 v2, v4  }
0x33: {  	v12 =	vsub.f32 $0.0e+00, v12;
	v62 =	vmul.f32 $2.980876530e-02, v7  }
0x34: {  	v2 =	vadd.f32 $-4.896990950e-01, v2  }
0x35: {  	v12 =	vmul.f32 $1.442695020e+00, v12;
	v6 =	vadd.f32 $-1.299571990e-01, v62;
	v25 =	vpop (erf)  }
0x36: {  	v26 =	vmul.f32 $2.980876530e-02, v25;
	v2 =	vmul.f32 v2, v4  }
0x37: {  	v13 =	vpop (erf);
	v6 =	vmul.f32 v6, v7  }
0x38: {  	(erf) = vpow2.f32 v12;
	v30 =	vpop (erf);
	v8 =	vadd.f32 $-1.299571990e-01, v26;
	v2 =	vadd.f32 $9.991664290e-01, v2  }
0x39: {  	v15 =	vmul.f32 $2.980876530e-02, v13;
	v31 =	vmul.f32 $2.980876530e-02, v30;
	v6 =	vadd.f32 $2.838231920e-01, v6  }
0x3a: {  	v8 =	vmul.f32 v8, v25;
	v2 =	vmul.f32 v2, v4;
	v4 =	vld [tilespmem:$0x260]  }
0x3b: {  	v29 =	vadd.f32 $-1.299571990e-01, v15;
	v12 =	vadd.f32 $-1.299571990e-01, v31;
	v6 =	vmul.f32 v6, v7  }
0x3c: {  	v8 =	vadd.f32 $2.838231920e-01, v8;
	v27 =	vadd.f32 $1.144709770e-05, v2;
	v2 =	vld [tilespmem:$0x270]  }
0x3d: {  	v14 =	vld [tilespmem:$0x400];
	v12 =	vmul.f32 v12, v30;
	v6 =	vadd.f32 $-4.896990950e-01, v6  }
0x3e: {  	v0 =	vmin.f32 v0, $0.0e+00;
	v28 =	vmul.f32 v8, v25;
	v8 =	vmul.f32 v29, v13  }
0x3f: {  	v12 =	vadd.f32 $2.838231920e-01, v12;
	v6 =	vmul.f32 v6, v7;
	v16 =	vand.u32 $0x7FFFFFFF, v4  }
0x40: {  	v1 =	vmin.f32 v1, $0.0e+00;
	v0 =	vsub.f32 v27, v0;
	v32 =	vsub.f32 $0.0e+00, v16  }
0x41: {  	v33 =	vadd.f32 $2.838231920e-01, v8;
	v6 =	vadd.f32 $9.991664290e-01, v6;
	v17 =	vand.u32 $0x7FFFFFFF, v2  }
0x42: {  	v8 =	vld [tilespmem:$0x280];
	v0 =	vmul.f32 v0, v14;
	v14 =	vmul.f32 $1.442695020e+00, v32;
	v17 =	vsub.f32 $0.0e+00, v17  }
0x43: {  	v5 =	vmin.f32 v5, $0.0e+00;
	v12 =	vmul.f32 v12, v30;
	v6 =	vmul.f32 v6, v7  }
0x44: {  	v18 =	vld [tilespmem:$0x410];
	v7 =	vadd.f32 $-4.896990950e-01, v28;
	(erf) = vpow2.f32 v14;
	v35 =	vmul.f32 $1.442695020e+00, v17  }
0x45: {  	v10 =	vmin.f32 v10, $0.0e+00;
	v3 =	vmin.f32 v59, $0.0e+00;
	v6 =	vadd.f32 $1.144709770e-05, v6  }
0x46: {  	v19 =	vpop (erf);
	v12 =	vadd.f32 $-4.896990950e-01, v12;
	v34 =	vmul.f32 v7, v25;
	v7 =	vld [tilespmem:$0x290];
	(erf) = vpow2.f32 v35  }
0x47: {  	v36 =	vmul.f32 $2.980876530e-02, v19;
	v37 =	vand.u32 $0x7FFFFFFF, v8;
	v1 =	vsub.f32 v6, v1  }
0x48: {  	v12 =	vmul.f32 v12, v30;
	v6 =	vadd.f32 $9.991664290e-01, v34;
	v14 =	vsub.f32 $0.0e+00, v37  }
0x49: {  	v16 =	vmul.f32 v33, v13;
	v1 =	vmul.f32 v1, v18;
	v17 =	vadd.f32 $-1.299571990e-01, v36  }
0x4a: {  	v12 =	vadd.f32 $9.991664290e-01, v12;
	v6 =	vmul.f32 v6, v25;
	v14 =	vmul.f32 $1.442695020e+00, v14  }
0x4b: {  	v16 =	vadd.f32 $-4.896990950e-01, v16;
	v38 =	vand.u32 $0x7FFFFFFF, v7;
	v17 =	vmul.f32 v17, v19  }
0x4c: {  	v18 =	vsub.f32 $0.0e+00, v38;
	v6 =	vadd.f32 $1.144709770e-05, v6;
	(erf) = vpow2.f32 v14  }
0x4d: {  	v45 =	vmul.f32 v12, v30;
	v16 =	vmul.f32 v16, v13;
	v40 =	vadd.f32 $2.838231920e-01, v17;
	v43 =	vpop (erf)  }
0x4e: {  	v42 =	vld [tilespmem:$0x420];
	v41 =	vmul.f32 $1.442695020e+00, v18;
	v3 =	vsub.f32 v6, v3;
	v46 =	vmul.f32 $2.980876530e-02, v43  }
0x4f: {  	v47 =	vld [tilespmem:$0x440];
	v6 =	vadd.f32 $1.144709770e-05, v45;
	v39 =	vadd.f32 $9.991664290e-01, v16;
	v16 =	vmul.f32 v40, v19;
	v48 =	vpop (erf)  }
0x50: {  	v9 =	vmin.f32 v63, $0.0e+00;
	v14 =	vld [tilespmem:$0x2B0];
	v20 =	vadd.f32 $-1.299571990e-01, v46;
	v21 =	vmul.f32 $2.980876530e-02, v48  }
0x51: {  	v11 =	vmul.f32 v39, v13;
	v16 =	vadd.f32 $-4.896990950e-01, v16;
	(erf) = vpow2.f32 v41  }
0x52: {  	v12 =	vld [tilespmem:$0x2A0];
	v10 =	vsub.f32 v6, v10;
	v50 =	vmul.f32 v20, v43;
	v51 =	vadd.f32 $-1.299571990e-01, v21  }
0x53: {  	v6 =	vmul.f32 v3, v42;
	v11 =	vadd.f32 $1.144709770e-05, v11;
	v49 =	vmul.f32 v16, v19  }
0x54: {  	v3 =	vmul.f32 v10, v47;
	v52 =	vadd.f32 $2.838231920e-01, v50;
	v53 =	vmul.f32 v51, v48  }
0x55: {  	v5 =	vsub.f32 v11, v5;
	v23 =	vand.u32 $0x7FFFFFFF, v14;
	v11 =	vadd.f32 $9.991664290e-01, v49;
	v54 =	vpop (erf)  }
0x56: {  	v55 =	vmul.f32 $2.980876530e-02, v54;
	v10 =	vmul.f32 v52, v43;
	v13 =	vadd.f32 $2.838231920e-01, v53  }
0x57: {  	v57 =	vand.u32 $0x7FFFFFFF, v12;
	v23 =	vsub.f32 $0.0e+00, v23;
	v11 =	vmul.f32 v11, v19  }
0x58: {  	v22 =	vld [tilespmem:$0x450];
	v58 =	vadd.f32 $-1.299571990e-01, v55;
	v10 =	vadd.f32 $-4.896990950e-01, v10;
	v13 =	vmul.f32 v13, v48  }
0x59: {  	v61 =	vmul.f32 $1.442695020e+00, v23;
	v19 =	vsub.f32 $0.0e+00, v57;
	v11 =	vadd.f32 $1.144709770e-05, v11  }
0x5a: {  	v44 =	vld [tilespmem:$0x430];
	v56 =	vpop (erf);
	v20 =	vmul.f32 v58, v54;
	v10 =	vmul.f32 v10, v43;
	v13 =	vadd.f32 $-4.896990950e-01, v13  }
0x5b: {  	v19 =	vmul.f32 $1.442695020e+00, v19;
	v9 =	vsub.f32 v11, v9;
	v11 =	vld [tilespmem:$0x2D0];
	v59 =	vmul.f32 $2.980876530e-02, v56  }
0x5c: {  	v20 =	vadd.f32 $2.838231920e-01, v20;
	v10 =	vadd.f32 $9.991664290e-01, v10;
	v60 =	vmul.f32 v13, v48;
	v13 =	vld [tilespmem:$0x2C0]  }
0x5d: {  	(erf) = vpow2.f32 v19;
	v22 =	vmul.f32 v9, v22;
	v9 =	vld [tilespmem:$0x2F0];
	v21 =	vadd.f32 $-1.299571990e-01, v59  }
0x5e: {  	v8 =	vmin.f32 v8, $0.0e+00;
	v20 =	vmul.f32 v20, v54;
	v17 =	vmul.f32 v10, v43;
	v10 =	vld [tilespmem:$0x2E0]  }
0x5f: {  	v4 =	vmin.f32 v4, $0.0e+00;
	v2 =	vmin.f32 v2, $0.0e+00;
	v21 =	vmul.f32 v21, v56  }
0x60: {  	(erf) = vpow2.f32 v61;
	v28 =	vand.u32 $0x7FFFFFFF, v11;
	v20 =	vadd.f32 $-4.896990950e-01, v20  }
0x61: {  	v23 =	vsub.f32 $0.0e+00, v28;
	v21 =	vadd.f32 $2.838231920e-01, v21;
	v62 =	vand.u32 $0x7FFFFFFF, v13  }
0x62: {  	v5 =	vmul.f32 v5, v44;
	v19 =	vadd.f32 $9.991664290e-01, v60;
	v63 =	vsub.f32 $0.0e+00, v62  }
0x63: {  	v26 =	vand.u32 $0x7FFFFFFF, v9;
	v20 =	vmul.f32 v20, v54;
	v24 =	vand.u32 $0x7FFFFFFF, v10  }
0x64: {  	v18 =	vmul.f32 v19, v48;
	v19 =	vmul.f32 $1.442695020e+00, v63;
	v24 =	vsub.f32 $0.0e+00, v24  }
0x65: {  	v23 =	vmul.f32 $1.442695020e+00, v23;
	v26 =	vsub.f32 $0.0e+00, v26;
	v21 =	vmul.f32 v21, v56  }
0x66: {  	v7 =	vmin.f32 v7, $0.0e+00;
	(erf) = vpow2.f32 v19;
	v29 =	vmul.f32 $1.442695020e+00, v24  }
0x67: {  	v12 =	vmin.f32 v12, $0.0e+00;
	v25 =	vpop (erf);
	v30 =	vmul.f32 $1.442695020e+00, v26;
	(erf) = vpow2.f32 v23  }
0x68: {  	v27 =	vmul.f32 $2.980876530e-02, v25;
	v20 =	vadd.f32 $9.991664290e-01, v20;
	(erf) = vpow2.f32 v29  }
0x69: {  	v31 =	vld [tilespmem:$0x460];
	v17 =	vadd.f32 $1.144709770e-05, v17;
	v36 =	vpop (erf);
	v21 =	vadd.f32 $-4.896990950e-01, v21;
	(erf) = vpow2.f32 v30  }
0x6a: {  	v32 =	vld [tilespmem:$0x470];
	v39 =	vmul.f32 $2.980876530e-02, v36;
	v15 =	vmul.f32 v20, v54;
	v34 =	vadd.f32 $-1.299571990e-01, v27  }
0x6b: {  	v4 =	vsub.f32 v17, v4;
	v18 =	vadd.f32 $1.144709770e-05, v18;
	v21 =	vmul.f32 v21, v56  }
0x6c: {  	v40 =	vadd.f32 $-1.299571990e-01, v39;
	v15 =	vadd.f32 $1.144709770e-05, v15;
	v37 =	vmul.f32 v34, v25  }
0x6d: {  	v61 =	vmin.f32 v14, $0.0e+00;
	v2 =	vsub.f32 v18, v2;
	v33 =	vadd.f32 $9.991664290e-01, v21  }
0x6e: {  	v4 =	vmul.f32 v4, v31;
	v17 =	vmul.f32 v40, v36;
	v19 =	vadd.f32 $2.838231920e-01, v37  }
0x6f: {  	v35 =	vld [tilespmem:$0x480];
	v34 =	vmin.f32 v11, $0.0e+00;
	v2 =	vmul.f32 v2, v32;
	v16 =	vmul.f32 v33, v56;
	v42 =	vpop (erf)  }
0x70: {  	v8 =	vsub.f32 v15, v8;
	v41 =	vmul.f32 v19, v25;
	v43 =	vmul.f32 $2.980876530e-02, v42;
	v44 =	vpop (erf)  }
0x71: {  	v17 =	vadd.f32 $2.838231920e-01, v17;
	v16 =	vadd.f32 $1.144709770e-05, v16;
	v46 =	vmul.f32 $2.980876530e-02, v44;
	v47 =	vpop (erf)  }
0x72: {  	v45 =	vadd.f32 $-4.896990950e-01, v41;
	v19 =	vadd.f32 $-1.299571990e-01, v43;
	v48 =	vmul.f32 $2.980876530e-02, v47;
	v49 =	vpop (erf)  }
0x73: {  	v7 =	vsub.f32 v16, v7;
	v16 =	vadd.f32 $-1.299571990e-01, v46;
	v50 =	vmul.f32 $2.980876530e-02, v49  }
0x74: {  	v8 =	vmul.f32 v8, v35;
	v19 =	vmul.f32 v19, v42;
	v24 =	vadd.f32 $-1.299571990e-01, v48  }
0x75: {  	v15 =	vmul.f32 v45, v25;
	v16 =	vmul.f32 v16, v44;
	v27 =	vadd.f32 $-1.299571990e-01, v50  }
0x76: {  	v17 =	vmul.f32 v17, v36;
	v19 =	vadd.f32 $2.838231920e-01, v19;
	v24 =	vmul.f32 v24, v47  }
0x77: {  	v15 =	vadd.f32 $9.991664290e-01, v15;
	v16 =	vadd.f32 $2.838231920e-01, v16;
	v51 =	vmul.f32 v27, v49  }
0x78: {  	v38 =	vld [tilespmem:$0x490];
	v17 =	vadd.f32 $-4.896990950e-01, v17;
	v19 =	vmul.f32 v19, v42;
	v24 =	vadd.f32 $2.838231920e-01, v24  }
0x79: {  	v15 =	vmul.f32 v15, v25;
	v16 =	vmul.f32 v16, v44;
	v25 =	vadd.f32 $2.838231920e-01, v51  }
0x7a: {  	v17 =	vmul.f32 v17, v36;
	v19 =	vadd.f32 $-4.896990950e-01, v19;
	v24 =	vmul.f32 v24, v47  }
0x7b: {  	v30 =	vmin.f32 v13, $0.0e+00;
	v16 =	vadd.f32 $-4.896990950e-01, v16;
	v25 =	vmul.f32 v25, v49  }
0x7c: {  	[tilespmem:$0x600] =	vst v0;
	v17 =	vadd.f32 $9.991664290e-01, v17;
	v19 =	vmul.f32 v19, v42;
	v53 =	vadd.f32 $-4.896990950e-01, v24  }
0x7d: {  	[tilespmem:$0x610] =	vst v1;
	v7 =	vmul.f32 v7, v38;
	v56 =	vmul.f32 v16, v44;
	v57 =	vadd.f32 $-4.896990950e-01, v25  }
0x7e: {  	[tilespmem:$0x620] =	vst v6;
	v17 =	vmul.f32 v17, v36;
	v59 =	vadd.f32 $9.991664290e-01, v19;
	v60 =	vmul.f32 v53, v47  }
0x7f: {  	[tilespmem:$0x640] =	vst v3;
	v52 =	vld [tilespmem:$0x4A0];
	v15 =	vadd.f32 $1.144709770e-05, v15;
	v62 =	vadd.f32 $9.991664290e-01, v56;
	v63 =	vmul.f32 v57, v49  }
0x80: {  	[tilespmem:$0x630] =	vst v5;
	v55 =	vld [tilespmem:$0x4B0];
	v58 =	vadd.f32 $1.144709770e-05, v17;
	v24 =	vmul.f32 v59, v42;
	v25 =	vadd.f32 $9.991664290e-01, v60  }
0x81: {  	[tilespmem:$0x650] =	vst v22;
	v54 =	vsub.f32 v15, v12;
	v27 =	vld [tilespmem:$0x4C0];
	v14 =	vmul.f32 v62, v44;
	v15 =	vadd.f32 $9.991664290e-01, v63  }
0x82: {  	[tilespmem:$0x660] =	vst v4;
	v29 =	vld [tilespmem:$0x4D0];
	v36 =	vmin.f32 v10, $0.0e+00;
	v28 =	vadd.f32 $1.144709770e-05, v24;
	v6 =	vmul.f32 v25, v47  }
0x83: {  	v32 =	vld [tilespmem:$0x4E0];
	[tilespmem:$0x670] =	vst v2;
	v23 =	vsub.f32 v58, v61;
	v31 =	vadd.f32 $1.144709770e-05, v14;
	v33 =	vmul.f32 v15, v49  }
0x84: {  	v35 =	vld [tilespmem:$0x4F0];
	[tilespmem:$0x680] =	vst v8;
	v0 =	vmul.f32 v54, v52;
	v2 =	vsub.f32 v28, v30;
	v6 =	vadd.f32 $1.144709770e-05, v6  }
0x85: {  	[tilespmem:$0x690] =	vst v7;
	v3 =	vmul.f32 v23, v55;
	v4 =	vsub.f32 v31, v34;
	v37 =	vadd.f32 $1.144709770e-05, v33  }
0x86: {  	v40 =	vmin.f32 v9, $0.0e+00;
	[tilespmem:$0x6A0] =	vst v0;
	v38 =	vmul.f32 v2, v27;
	v39 =	vsub.f32 v6, v36  }
0x87: {  	[tilespmem:$0x6B0] =	vst v3;
	v41 =	vmul.f32 v4, v29;
	v2 =	vsub.f32 v37, v40  }
0x88: {  	[tilespmem:$0x6C0] =	vst v38;
	v42 =	vmul.f32 v39, v32  }
0x89: {  	[tilespmem:$0x6D0] =	vst v41;
	v43 =	vmul.f32 v2, v35  }
0x8a: {  	[tilespmem:$0x6E0] =	vst v42  }
0x8b: {  	[tilespmem:$0x6F0] =	vst v43  }
0x8c: {  	[hbm4b:s4+s3] =	stream.linear.scatter [tilespmem:s16], [sflag:$0x5], $0x100, $0x38;
	[tilespmem:$0x800] =	vst v63  }
0x8d: {  	_ =	swait.ge [sflag:s17], $0x100  }
0x8e: {  	[sflag:s17] =	ssyncset.done $0x0  }
0x8f: {  	[sflag:s17] =	ssyncadd.s32 $0xFFFFFF00  }
0x90: {  	v44 =	vld [tilespmem:$0x300];
	_ =	sdelay $0x3  }
0x91: {  	v46 =	vld [tilespmem:$0x310]  }
0x92: {  	v45 =	vand.u32 $0x7FFFFFFF, v44  }
0x93: {  	v1 =	vsub.f32 $0.0e+00, v45;
	_ =	sdelay $0x1  }
0x94: {  	v1 =	vmul.f32 $1.442695020e+00, v1  }
0x95: {  	v47 =	vand.u32 $0x7FFFFFFF, v46  }
0x96: {  	(erf) = vpow2.f32 v1;
	v1 =	vsub.f32 $0.0e+00, v47;
	_ =	sdelay $0x1  }
0x97: {  	v1 =	vmul.f32 $1.442695020e+00, v1;
	_ =	sdelay $0x1  }
0x98: {  	v48 =	vld [tilespmem:$0x320];
	(erf) = vpow2.f32 v1;
	_ =	sdelay $0x4  }
0x99: {  	v6 =	vld [tilespmem:$0x330];
	v50 =	vand.u32 $0x7FFFFFFF, v48  }
0x9a: {  	v8 =	vld [tilespmem:$0x340];
	v3 =	vsub.f32 $0.0e+00, v50;
	_ =	sdelay $0x1  }
0x9b: {  	v3 =	vmul.f32 $1.442695020e+00, v3;
	v49 =	vpop (erf)  }
0x9c: {  	v51 =	vmul.f32 $2.980876530e-02, v49;
	v52 =	vpop (erf)  }
0x9d: {  	v54 =	vand.u32 $0x7FFFFFFF, v6;
	(erf) = vpow2.f32 v3;
	v53 =	vmul.f32 $2.980876530e-02, v52  }
0x9e: {  	v11 =	vld [tilespmem:$0x350];
	v55 =	vand.u32 $0x7FFFFFFF, v8;
	v7 =	vsub.f32 $0.0e+00, v54;
	v4 =	vadd.f32 $-1.299571990e-01, v51  }
0x9f: {  	v10 =	vsub.f32 $0.0e+00, v55;
	v3 =	vadd.f32 $-1.299571990e-01, v53  }
0xa0: {  	v7 =	vmul.f32 $1.442695020e+00, v7;
	v4 =	vmul.f32 v4, v49  }
0xa1: {  	v56 =	vmul.f32 $1.442695020e+00, v10;
	v3 =	vmul.f32 v3, v52  }
0xa2: {  	(erf) = vpow2.f32 v7;
	v4 =	vadd.f32 $2.838231920e-01, v4  }
0xa3: {  	v58 =	vand.u32 $0x7FFFFFFF, v11;
	v7 =	vld [tilespmem:$0x360];
	(erf) = vpow2.f32 v56;
	v3 =	vadd.f32 $2.838231920e-01, v3  }
0xa4: {  	v12 =	vsub.f32 $0.0e+00, v58;
	v4 =	vmul.f32 v4, v49  }
0xa5: {  	v3 =	vmul.f32 v3, v52  }
0xa6: {  	v12 =	vmul.f32 $1.442695020e+00, v12;
	v57 =	vpop (erf);
	v4 =	vadd.f32 $-4.896990950e-01, v4  }
0xa7: {  	v59 =	vmul.f32 $2.980876530e-02, v57;
	v3 =	vadd.f32 $-4.896990950e-01, v3  }
0xa8: {  	(erf) = vpow2.f32 v12;
	v61 =	vand.u32 $0x7FFFFFFF, v7;
	v4 =	vmul.f32 v4, v49  }
0xa9: {  	v12 =	vsub.f32 $0.0e+00, v61;
	v13 =	vadd.f32 $-1.299571990e-01, v59;
	v3 =	vmul.f32 v3, v52  }
0xaa: {  	v4 =	vadd.f32 $9.991664290e-01, v4  }
0xab: {  	v12 =	vmul.f32 $1.442695020e+00, v12;
	v63 =	vpop (erf);
	v60 =	vmul.f32 v13, v57;
	v62 =	vadd.f32 $9.991664290e-01, v3;
	v3 =	vld [tilespmem:$0x370]  }
0xac: {  	v0 =	vmin.f32 v44, $0.0e+00;
	v24 =	vmul.f32 $2.980876530e-02, v63;
	v26 =	vpop (erf);
	v1 =	vmul.f32 v4, v49  }
0xad: {  	v2 =	vmin.f32 v46, $0.0e+00;
	(erf) = vpow2.f32 v12;
	v12 =	vld [tilespmem:$0x390];
	v28 =	vmul.f32 $2.980876530e-02, v26  }
0xae: {  	v5 =	vmin.f32 v48, $0.0e+00;
	v4 =	vadd.f32 $2.838231920e-01, v60;
	v1 =	vadd.f32 $1.144709770e-05, v1  }
0xaf: {  	v27 =	vadd.f32 $-1.299571990e-01, v24;
	v16 =	vadd.f32 $-1.299571990e-01, v28;
	v25 =	vmul.f32 v62, v52  }
0xb0: {  	v4 =	vmul.f32 v4, v57;
	v0 =	vsub.f32 v1, v0;
	v31 =	vand.u32 $0x7FFFFFFF, v3  }
0xb1: {  	v6 =	vmin.f32 v6, $0.0e+00;
	v1 =	vadd.f32 $1.144709770e-05, v25;
	v32 =	vsub.f32 $0.0e+00, v31  }
0xb2: {  	v13 =	vmul.f32 v27, v63;
	v42 =	vand.u32 $0x7FFFFFFF, v12;
	v30 =	vadd.f32 $-4.896990950e-01, v4;
	v4 =	vld [tilespmem:$0x380]  }
0xb3: {  	v34 =	vpop (erf);
	v16 =	vmul.f32 v16, v26;
	v1 =	vsub.f32 v1, v2;
	v2 =	vmul.f32 $1.442695020e+00, v32  }
0xb4: {  	v35 =	vmul.f32 $2.980876530e-02, v34;
	v13 =	vadd.f32 $2.838231920e-01, v13;
	v20 =	vsub.f32 $0.0e+00, v42  }
0xb5: {  	v23 =	vld [tilespmem:$0x500];
	v8 =	vmin.f32 v8, $0.0e+00;
	v16 =	vadd.f32 $2.838231920e-01, v16;
	(erf) = vpow2.f32 v2  }
0xb6: {  	v18 =	vadd.f32 $-1.299571990e-01, v35;
	v13 =	vmul.f32 v13, v63;
	v20 =	vmul.f32 $1.442695020e+00, v20  }
0xb7: {  	v40 =	vpop (erf);
	v37 =	vmul.f32 v16, v26;
	v33 =	vmul.f32 v30, v57;
	v38 =	vand.u32 $0x7FFFFFFF, v4  }
0xb8: {  	v29 =	vld [tilespmem:$0x510];
	v36 =	vadd.f32 $-4.896990950e-01, v13;
	v41 =	vmul.f32 $2.980876530e-02, v40;
	v16 =	vsub.f32 $0.0e+00, v38  }
0xb9: {  	v39 =	vmul.f32 v18, v34;
	v13 =	vadd.f32 $-4.896990950e-01, v37;
	v15 =	vadd.f32 $9.991664290e-01, v33  }
0xba: {  	v19 =	vadd.f32 $-1.299571990e-01, v41;
	v0 =	vmul.f32 v0, v23;
	v16 =	vmul.f32 $1.442695020e+00, v16  }
0xbb: {  	v13 =	vmul.f32 v13, v26;
	v10 =	vmul.f32 v15, v57;
	v15 =	vadd.f32 $2.838231920e-01, v39  }
0xbc: {  	v11 =	vmin.f32 v11, $0.0e+00;
	v19 =	vmul.f32 v19, v40;
	(erf) = vpow2.f32 v16  }
0xbd: {  	v1 =	vmul.f32 v1, v29;
	v13 =	vadd.f32 $9.991664290e-01, v13;
	v15 =	vmul.f32 v15, v34  }
0xbe: {  	v43 =	vld [tilespmem:$0x520];
	v45 =	vadd.f32 $2.838231920e-01, v19;
	v2 =	vmul.f32 v36, v63;
	v46 =	vpop (erf);
	(erf) = vpow2.f32 v20  }
0xbf: {  	v9 =	vmul.f32 v13, v26;
	v13 =	vld [tilespmem:$0x3A0];
	v44 =	vadd.f32 $-4.896990950e-01, v15;
	v47 =	vmul.f32 $2.980876530e-02, v46  }
0xc0: {  	v10 =	vadd.f32 $1.144709770e-05, v10;
	v36 =	vmin.f32 v7, $0.0e+00;
	v2 =	vadd.f32 $9.991664290e-01, v2  }
0xc1: {  	v15 =	vmul.f32 v45, v40;
	v14 =	vmul.f32 v44, v34;
	v52 =	vadd.f32 $-1.299571990e-01, v47  }
0xc2: {  	v5 =	vsub.f32 v10, v5;
	v51 =	vadd.f32 $1.144709770e-05, v9;
	v2 =	vmul.f32 v2, v63  }
0xc3: {  	v54 =	vadd.f32 $-4.896990950e-01, v15;
	v53 =	vadd.f32 $9.991664290e-01, v14;
	v9 =	vmul.f32 v52, v46  }
0xc4: {  	v49 =	vadd.f32 $1.144709770e-05, v2;
	v2 =	vmul.f32 v5, v43;
	v31 =	vand.u32 $0x7FFFFFFF, v13  }
0xc5: {  	v16 =	vsub.f32 $0.0e+00, v31;
	v10 =	vmul.f32 v53, v34;
	v55 =	vpop (erf);
	v56 =	vadd.f32 $2.838231920e-01, v9;
	v9 =	vld [tilespmem:$0x3B0]  }
0xc6: {  	v48 =	vld [tilespmem:$0x530];
	v8 =	vsub.f32 v51, v8;
	v14 =	vmul.f32 v54, v40;
	v57 =	vmul.f32 $2.980876530e-02, v55  }
0xc7: {  	v50 =	vld [tilespmem:$0x540];
	v6 =	vsub.f32 v49, v6;
	v16 =	vmul.f32 $1.442695020e+00, v16;
	v58 =	vadd.f32 $1.144709770e-05, v10;
	v62 =	vpop (erf)  }
0xc8: {  	v59 =	vadd.f32 $9.991664290e-01, v14;
	v61 =	vadd.f32 $-1.299571990e-01, v57;
	v28 =	vmul.f32 $2.980876530e-02, v62  }
0xc9: {  	v7 =	vld [tilespmem:$0x3F0];
	(erf) = vpow2.f32 v16;
	v63 =	vsub.f32 v58, v11;
	v60 =	vmul.f32 v56, v46  }
0xca: {  	v30 =	vmul.f32 v61, v55;
	v10 =	vadd.f32 $-1.299571990e-01, v28;
	v32 =	vand.u32 $0x7FFFFFFF, v9  }
0xcb: {  	v5 =	vmul.f32 v6, v48;
	v11 =	vld [tilespmem:$0x3C0];
	v29 =	vadd.f32 $-4.896990950e-01, v60;
	v18 =	vsub.f32 $0.0e+00, v32  }
0xcc: {  	v6 =	vmul.f32 v8, v50;
	v14 =	vadd.f32 $2.838231920e-01, v30;
	v35 =	vmul.f32 v10, v62;
	v10 =	vld [tilespmem:$0x3D0]  }
0xcd: {  	v12 =	vmin.f32 v12, $0.0e+00;
	v8 =	vld [tilespmem:$0x3E0];
	v33 =	vmul.f32 v29, v46;
	v18 =	vmul.f32 $1.442695020e+00, v18  }
0xce: {  	v3 =	vmin.f32 v3, $0.0e+00;
	v43 =	vand.u32 $0x7FFFFFFF, v7;
	v14 =	vmul.f32 v14, v55  }
0xcf: {  	v27 =	vmul.f32 v59, v40;
	v21 =	vadd.f32 $9.991664290e-01, v33;
	(erf) = vpow2.f32 v18  }
0xd0: {  	v40 =	vand.u32 $0x7FFFFFFF, v11;
	v14 =	vadd.f32 $-4.896990950e-01, v14;
	v23 =	vadd.f32 $2.838231920e-01, v35  }
0xd1: {  	v38 =	vmul.f32 v21, v46;
	v21 =	vsub.f32 $0.0e+00, v40;
	v41 =	vand.u32 $0x7FFFFFFF, v10  }
0xd2: {  	v42 =	vand.u32 $0x7FFFFFFF, v8;
	v14 =	vmul.f32 v14, v55;
	v22 =	vsub.f32 $0.0e+00, v41  }
0xd3: {  	v49 =	vpop (erf);
	v39 =	vmul.f32 v23, v62;
	v23 =	vsub.f32 $0.0e+00, v42;
	v21 =	vmul.f32 $1.442695020e+00, v21  }
0xd4: {  	v24 =	vsub.f32 $0.0e+00, v43;
	v51 =	vmul.f32 $2.980876530e-02, v49;
	v22 =	vmul.f32 $1.442695020e+00, v22  }
0xd5: {  	v44 =	vld [tilespmem:$0x550];
	v14 =	vadd.f32 $9.991664290e-01, v14;
	v45 =	vmul.f32 $1.442695020e+00, v23;
	(erf) = vpow2.f32 v21  }
0xd6: {  	v4 =	vmin.f32 v4, $0.0e+00;
	v53 =	vld [tilespmem:$0x580];
	v46 =	vmul.f32 $1.442695020e+00, v24;
	(erf) = vpow2.f32 v22  }
0xd7: {  	v34 =	vadd.f32 $1.144709770e-05, v27;
	v47 =	vld [tilespmem:$0x560];
	v14 =	vmul.f32 v14, v55;
	(erf) = vpow2.f32 v45  }
0xd8: {  	v50 =	vld [tilespmem:$0x570];
	v24 =	vadd.f32 $-1.299571990e-01, v51;
	v18 =	vadd.f32 $1.144709770e-05, v38;
	v52 =	vpop (erf);
	(erf) = vpow2.f32 v46  }
0xd9: {  	v13 =	vmin.f32 v13, $0.0e+00;
	v19 =	vadd.f32 $-4.896990950e-01, v39;
	v14 =	vadd.f32 $1.144709770e-05, v14  }
0xda: {  	v37 =	vsub.f32 v34, v36;
	v20 =	vmul.f32 v63, v44;
	v56 =	vmul.f32 v24, v49  }
0xdb: {  	v3 =	vsub.f32 v18, v3;
	v19 =	vmul.f32 v19, v62;
	v4 =	vsub.f32 v14, v4  }
0xdc: {  	v16 =	vmul.f32 v37, v47;
	v42 =	vmin.f32 v9, $0.0e+00;
	v14 =	vadd.f32 $2.838231920e-01, v56  }
0xdd: {  	v3 =	vmul.f32 v3, v50;
	v48 =	vadd.f32 $9.991664290e-01, v19;
	v4 =	vmul.f32 v4, v53  }
0xde: {  	v50 =	vmin.f32 v11, $0.0e+00;
	v14 =	vmul.f32 v14, v49;
	v54 =	vmul.f32 $2.980876530e-02, v52;
	v58 =	vpop (erf)  }
0xdf: {  	v56 =	vmin.f32 v8, $0.0e+00;
	v15 =	vmul.f32 v48, v62;
	v60 =	vmul.f32 $2.980876530e-02, v58;
	v59 =	vpop (erf)  }
0xe0: {  	v53 =	vmin.f32 v10, $0.0e+00;
	v17 =	vadd.f32 $-1.299571990e-01, v54;
	v61 =	vpop (erf);
	v62 =	vmul.f32 $2.980876530e-02, v59  }
0xe1: {  	v15 =	vadd.f32 $1.144709770e-05, v15;
	v21 =	vadd.f32 $-1.299571990e-01, v60;
	v63 =	vmul.f32 $2.980876530e-02, v61;
	v30 =	vpop (erf)  }
0xe2: {  	v57 =	vmul.f32 v17, v52;
	v23 =	vadd.f32 $-1.299571990e-01, v62;
	v31 =	vmul.f32 $2.980876530e-02, v30  }
0xe3: {  	v12 =	vsub.f32 v15, v12;
	v21 =	vmul.f32 v21, v58;
	v24 =	vadd.f32 $-1.299571990e-01, v63  }
0xe4: {  	v15 =	vadd.f32 $2.838231920e-01, v57;
	v23 =	vmul.f32 v23, v59;
	v27 =	vadd.f32 $-1.299571990e-01, v31  }
0xe5: {  	v14 =	vadd.f32 $-4.896990950e-01, v14;
	v21 =	vadd.f32 $2.838231920e-01, v21;
	v24 =	vmul.f32 v24, v61  }
0xe6: {  	v15 =	vmul.f32 v15, v52;
	v23 =	vadd.f32 $2.838231920e-01, v23;
	v27 =	vmul.f32 v27, v30  }
0xe7: {  	v14 =	vmul.f32 v14, v49;
	v21 =	vmul.f32 v21, v58;
	v24 =	vadd.f32 $2.838231920e-01, v24  }
0xe8: {  	v15 =	vadd.f32 $-4.896990950e-01, v15;
	v32 =	vmul.f32 v23, v59;
	v33 =	vadd.f32 $2.838231920e-01, v27  }
0xe9: {  	v14 =	vadd.f32 $9.991664290e-01, v14;
	v21 =	vadd.f32 $-4.896990950e-01, v21;
	v24 =	vmul.f32 v24, v61  }
0xea: {  	v15 =	vmul.f32 v15, v52;
	v19 =	vadd.f32 $-4.896990950e-01, v32;
	v23 =	vmul.f32 v33, v30  }
0xeb: {  	[tilespmem:$0x700] =	vst v0;
	v14 =	vmul.f32 v14, v49;
	v21 =	vmul.f32 v21, v58;
	v24 =	vadd.f32 $-4.896990950e-01, v24  }
0xec: {  	[tilespmem:$0x710] =	vst v1;
	v55 =	vld [tilespmem:$0x590];
	v15 =	vadd.f32 $9.991664290e-01, v15;
	v37 =	vmul.f32 v19, v59;
	v38 =	vadd.f32 $-4.896990950e-01, v23  }
0xed: {  	[tilespmem:$0x720] =	vst v2;
	v14 =	vadd.f32 $1.144709770e-05, v14;
	v40 =	vadd.f32 $9.991664290e-01, v21;
	v41 =	vmul.f32 v24, v61  }
0xee: {  	[tilespmem:$0x730] =	vst v5;
	v34 =	vld [tilespmem:$0x5A0];
	v15 =	vmul.f32 v15, v52;
	v43 =	vadd.f32 $9.991664290e-01, v37;
	v44 =	vmul.f32 v38, v30  }
0xef: {  	[tilespmem:$0x740] =	vst v6;
	v36 =	vld [tilespmem:$0x5B0];
	v35 =	vsub.f32 v14, v13;
	v45 =	vmul.f32 v40, v58;
	v46 =	vadd.f32 $9.991664290e-01, v41  }
0xf0: {  	[tilespmem:$0x750] =	vst v20;
	v48 =	vld [tilespmem:$0x5C0];
	v39 =	vadd.f32 $1.144709770e-05, v15;
	v47 =	vmul.f32 v43, v59;
	v14 =	vadd.f32 $9.991664290e-01, v44  }
0xf1: {  	[tilespmem:$0x760] =	vst v16;
	v12 =	vmul.f32 v12, v55;
	v49 =	vld [tilespmem:$0x5D0];
	v5 =	vadd.f32 $1.144709770e-05, v45;
	v6 =	vmul.f32 v46, v61  }
0xf2: {  	[tilespmem:$0x770] =	vst v3;
	v52 =	vld [tilespmem:$0x5E0];
	v2 =	vsub.f32 v39, v42;
	v1 =	vadd.f32 $1.144709770e-05, v47;
	v51 =	vmul.f32 v14, v30  }
0xf3: {  	[tilespmem:$0x780] =	vst v4;
	v55 =	vld [tilespmem:$0x5F0];
	v0 =	vmul.f32 v35, v34;
	v3 =	vsub.f32 v5, v50;
	v54 =	vadd.f32 $1.144709770e-05, v6  }
0xf4: {  	[tilespmem:$0x790] =	vst v12;
	v2 =	vmul.f32 v2, v36;
	v1 =	vsub.f32 v1, v53;
	v57 =	vadd.f32 $1.144709770e-05, v51  }
0xf5: {  	v60 =	vmin.f32 v7, $0.0e+00;
	[tilespmem:$0x7A0] =	vst v0;
	v58 =	vmul.f32 v3, v48;
	v59 =	vsub.f32 v54, v56  }
0xf6: {  	[tilespmem:$0x7B0] =	vst v2;
	v1 =	vmul.f32 v1, v49;
	v61 =	vsub.f32 v57, v60  }
0xf7: {  	[tilespmem:$0x7C0] =	vst v58;
	v62 =	vmul.f32 v59, v52  }
0xf8: {  	[tilespmem:$0x7D0] =	vst v1;
	v63 =	vmul.f32 v61, v55  }
0xf9: {  	[tilespmem:$0x7E0] =	vst v62  }
0xfa: {  	[tilespmem:$0x7F0] =	vst v63  }
0xfb: {  	[hbm4b:s7+s3] =	stream.linear.scatter [tilespmem:s18], [sflag:$0x5], $0x100, $0x38;
	[tilespmem:$0x800] =	vst v63  }
0xfc: {  	p0 =	sne.s32 s8, $0x1;
	_ =	swait.ge [sflag:s19], $0x100  }
.Ltmp0:
0xfd: {  	[sflag:s19] =	ssyncset.done $0x0;
	(pc) =	sbr.rel @p0 .LBB2_1-.Ltmp0, $4  }
0xfe: {  	[sflag:s19] =	ssyncadd.s32 $0xFFFFFF00  }
0xff: {  	_ =	swait.ge [sflag:s19], $0x100  }
0x100: {  	[sflag:s19] =	ssyncset.done $0x0  }
0x101: {  	s8 =	sadd.s32 $0xFFFFFFFF, s8;
	[sflag:s19] =	ssyncadd.s32 $0xFFFFFF00  }
0x102: {  	_ =	sfence.sel $0x180000  }
0x103: {  	[bflag:$0x0] =	sbarrier.arrive $0xFFFF  }
0x104: {  	p0 =	sne.s32 s2, $0x0;
	_ =	strace $0x90000047  }
0x105: {  	s0 =	sadd.s32 @!p0 $0x100000, s0;
	[bflag:$0x2] =	sbarrier.arrive $0xFFFF  }
0x106: {  	[sflag:s0] =	ssyncadd.tile.s32 @!p0 $0x1;
	_ =	shalt  }
.Lfunc_end2:
_tile_overlayer_lowered:
.L_overlay_start_2:
0x107: {  	(tag) =	ssettag $0x2  }
0x108: {  	s0 =	rddreg [dreg:$0x0];
	s2 =	stileid.u32  }
0x109: {  	s1 =	rddreg [dreg:$0x1];
	p0 =	sne.s32 s2, $0x0  }
0x10a: {  	s3 =	rddreg [dreg:$0x2];
	[bflag:$0x3] =	sbarrier.arrive $0xFFFF;
	s2 =	simm.s32 @!p0 $0x1C06  }
0x10b: {  	[timem:s3], [sflag:s2] =	dma.local @!p0 [hbm:s0], s1  }
0x10c: {  	s0 =	simm.s32 @!p0 $0x6  }
0x10d: {  	_ =	swait.ge @!p0 [sflag:s0], s1  }
0x10e: {  	s1 =	ssub.s32 @!p0 $0x0, s1;
	[sflag:s0] =	ssyncset.done @!p0 $0x0  }
0x10f: {  	[sflag:s0] =	ssyncadd.s32 @!p0 s1  }
0x110: {  	[bflag:$0x3] =	sbarrier.arrive $0xFFFF  }
0x111: {  	_ =	shalt  }

</sc_bundles>
